<compile_context>
chip_gen: v7x
topology: tpu7x:2x2x1
jax: 0.10.2.dev20260603
libtpu: 0.0.44.dev20260713+nightly
codegen_flags: <defaults>
</compile_context>

<pallas_src>
import functools

import numpy as np
import jax
import jax.numpy as jnp
from jax import lax
from jax.experimental import pallas as pl
from jax.experimental.pallas import tpu as pltpu
from jax.experimental.pallas import tpu_sc as plsc

_DROPOUT_RATE = 0.1
_MIN_TOKENS_TO_KEEP = 256
_LANES = 16

_perm_cache = {}


def _keep_indices(batch_size, num_tokens):
    cache_key = (batch_size, num_tokens)
    if cache_key not in _perm_cache:
        num_to_keep = max(int(num_tokens * (1.0 - _DROPOUT_RATE)), _MIN_TOKENS_TO_KEEP)
        num_to_keep = min(num_to_keep, num_tokens)

        def one(k):
            return jax.random.permutation(k, num_tokens)[:num_to_keep]

        cpu = jax.local_devices(backend="cpu")[0]
        with jax.ensure_compile_time_eval(), jax.default_device(cpu):
            keys = jax.random.split(jax.random.key(1), batch_size)
            _perm_cache[cache_key] = np.asarray(jax.vmap(one)(keys))
    return _perm_cache[cache_key]


def _scale_body(x_ref, s_ref, o_ref):
    s = s_ref[0, 0, :]
    o_ref[...] = x_ref[...] * s[None, :, None]


def _sc_mask_body(chunk, n_idx, n_cores, idx_hbm, out_hbm, idx_v, chunk_v):
    wid = lax.axis_index("s") * n_cores + lax.axis_index("c")

    pltpu.sync_copy(idx_hbm.at[wid], idx_v)

    zeros = jnp.zeros((_LANES,), jnp.int32)
    for i in range(chunk // _LANES):
        chunk_v[pl.ds(i * _LANES, _LANES)] = zeros

    ones = jnp.ones((_LANES,), jnp.int32)
    for i in range(n_idx // _LANES):
        rel = idx_v[pl.ds(i * _LANES, _LANES)]
        m = rel >= 0
        plsc.store_scatter(chunk_v, [jnp.where(m, rel, 0)], ones, mask=m)

    pltpu.sync_copy(chunk_v, out_hbm.at[pl.ds(wid * chunk, chunk)])


def _sc_mask(idx_pad, chunk, flat_len, n_cores):
    n_idx = idx_pad.shape[1]
    mesh = plsc.VectorSubcoreMesh(
        core_axis_name="c", subcore_axis_name="s", num_cores=n_cores
    )
    k = functools.partial(
        pl.kernel,
        mesh=mesh,
        out_type=jax.ShapeDtypeStruct((flat_len,), jnp.int32),
        scratch_types=[
            pltpu.VMEM((n_idx,), jnp.int32),
            pltpu.VMEM((chunk,), jnp.int32),
        ],
        compiler_params=pltpu.CompilerParams(needs_layout_passes=False),
    )(functools.partial(_sc_mask_body, chunk, n_idx, n_cores))
    return k(idx_pad)


def kernel(tokens):
    batch_size, num_tokens, hidden_dim = tokens.shape
    keep = _keep_indices(batch_size, num_tokens)
    scale = np.float32(1.0 / (1.0 - _DROPOUT_RATE))

    info = plsc.get_sparse_core_info()
    n_cores = 1
    num_workers = n_cores * info.num_subcores
    flat_len = batch_size * num_tokens
    chunk = flat_len // num_workers
    flat_idx = (keep + np.arange(batch_size)[:, None] * num_tokens).ravel()
    owner = flat_idx // chunk
    order = np.argsort(owner, kind="stable")
    flat_sorted = flat_idx[order]
    counts = np.bincount(owner, minlength=num_workers)
    lmax = ((int(counts.max()) + _LANES - 1) // _LANES) * _LANES
    idx_pad = np.full((num_workers, lmax), -1, np.int32)
    pos = 0
    for w in range(num_workers):
        c = int(counts[w])
        idx_pad[w, :c] = flat_sorted[pos : pos + c] - w * chunk
        pos += c
    svec = np.zeros((batch_size, num_tokens), np.float32)
    np.put_along_axis(svec, np.sort(keep, axis=1), scale, axis=1)

    blk = 512
    n_blocks = num_tokens // blk
    svec3 = jnp.asarray(svec.reshape(batch_size * n_blocks, 1, blk))

    mask_b = _sc_mask(jnp.asarray(idx_pad), chunk, flat_len, n_cores).astype(
        bool
    ).reshape(batch_size, num_tokens)
    out = pl.pallas_call(
        _scale_body,
        grid=(batch_size, n_blocks),
        in_specs=[
            pl.BlockSpec((1, blk, hidden_dim), lambda i, j: (i, j, 0)),
            pl.BlockSpec((1, 1, blk), lambda i, j, nb=n_blocks: (i * nb + j, 0, 0)),
        ],
        out_specs=pl.BlockSpec((1, blk, hidden_dim), lambda i, j: (i, j, 0)),
        out_shape=jax.ShapeDtypeStruct(tokens.shape, tokens.dtype),
        compiler_params=pltpu.CompilerParams(
            dimension_semantics=("parallel", "parallel")
        ),
    )(tokens, svec3)
    return out, mask_b

# --- scband reference (transcript-rebuilt; emitter-appended) ---
"""Pipeline reference for scband-shirg-token-dropout-8263517077804 (READ-ONLY COPY).

The authoritative reference and input builder live on the scoring server;
editing this copy changes nothing except your own understanding.
"""

import jax, jax.numpy as jnp
import numpy as np

DROPOUT_RATE = 0.1
MIN_TOKENS_TO_KEEP = 256


def _make_dropout_mask(key, batch_size, num_tokens, num_to_keep):
    # Faithful to _random_dropout: per-batch random permutation, keep first
    # num_to_keep indices, scatter True into a boolean mask.
    def one(k):
        perm = jax.random.permutation(k, num_tokens)
        keep_indices = perm[:num_to_keep]
        return jnp.zeros((num_tokens,), dtype=bool).at[keep_indices].set(True)
    keys = jax.random.split(key, batch_size)
    return jax.vmap(one)(keys)


def setup_inputs(seed: int = 0) -> dict:
    key = jax.random.key(seed)
    tokens = jax.random.normal(jax.random.fold_in(key, 0), (4, 4096, 4096), dtype=jnp.float32)
    return {"tokens": tokens}


def reference(tokens):
    batch_size, num_tokens, hidden_dim = tokens.shape
    num_to_keep = max(int(num_tokens * (1.0 - DROPOUT_RATE)), MIN_TOKENS_TO_KEEP)
    num_to_keep = min(num_to_keep, num_tokens)
    dropout_mask = _make_dropout_mask(jax.random.key(1), batch_size, num_tokens, num_to_keep)
    scale = 1.0 / (1.0 - DROPOUT_RATE)
    dropped_tokens = tokens * dropout_mask[..., None].astype(jnp.float32) * scale
    return (dropped_tokens, dropout_mask)

if __name__ == "__main__":
    import jax
    _d = setup_inputs()
    print(jax.jit(kernel)(*tuple(_d.values())))

</pallas_src>

<mosaic_0001>
#map = affine_map<(d0, d1) -> (0, 0)>
#map1 = affine_map<(d0, d1) -> (0)>
module attributes {stable_mosaic.version = 14 : i64} {
  func.func @_sc_mask_body(%arg0: i32, %arg1: i32, %arg2: memref<16x944xi32, #tpu.memory_space<hbm>>, %arg3: memref<16384xi32, #tpu.memory_space<hbm>>, %arg4: memref<944xi32, #tpu.memory_space<vmem>>, %arg5: memref<1024xi32, #tpu.memory_space<vmem>>) attributes {dimension_semantics = [#tpu.dimension_semantics<core_parallel>, #tpu.dimension_semantics<subcore_parallel>], iteration_bounds = array<i64: 1, 16>, scalar_prefetch = 0 : i64, scratch_operands = 2 : i64, tpu.core_type = #tpu.core_type<sc_vector_subcore>, window_params = [{transform_indices = #map}, {transform_indices = #map1}]} {
    %mul3A = arith.constant 1 : i32
    %mul3A_0 = arith.muli %arg1, %mul3A : i32
    %add3A = arith.addi %mul3A_0, %arg0 : i32
    "tpu.region"() ({
      %run_scoped3A = tpu.sem_alloc : memref<!tpu.dma_semaphore, #tpu.memory_space<semaphore_mem>>
      %dma_start3A = arith.constant 0 : i32
      %dma_start3A_601 = tpu.memref_slice %arg2[%add3A, %dma_start3A] : memref<16x944xi32, #tpu.memory_space<hbm>> -> memref<1x944xi32, #tpu.memory_space<hbm>>
      %dma_start3A_602 = tpu.memref_squeeze %dma_start3A_601 : memref<1x944xi32, #tpu.memory_space<hbm>> -> memref<944xi32, #tpu.memory_space<hbm>>
      %dma_start3A_603 = arith.constant 0 : i32
      %dma_start3A_604 = tpu.memref_slice %arg2[%add3A, %dma_start3A_603] : memref<16x944xi32, #tpu.memory_space<hbm>> -> memref<1x944xi32, #tpu.memory_space<hbm>>
      %dma_start3A_605 = tpu.memref_squeeze %dma_start3A_604 : memref<1x944xi32, #tpu.memory_space<hbm>> -> memref<944xi32, #tpu.memory_space<hbm>>
      tpu.enqueue_dma source(%dma_start3A_605 : memref<944xi32, #tpu.memory_space<hbm>>) target(%arg4 : memref<944xi32, #tpu.memory_space<vmem>>) target_semaphore(%run_scoped3A : memref<!tpu.dma_semaphore, #tpu.memory_space<semaphore_mem>>)
      %dma_wait3A = arith.constant 0 : i32
      %dma_wait3A_606 = tpu.memref_slice %arg2[%add3A, %dma_wait3A] : memref<16x944xi32, #tpu.memory_space<hbm>> -> memref<1x944xi32, #tpu.memory_space<hbm>>
      %dma_wait3A_607 = tpu.memref_squeeze %dma_wait3A_606 : memref<1x944xi32, #tpu.memory_space<hbm>> -> memref<944xi32, #tpu.memory_space<hbm>>
      %dma_wait3A_608 = arith.constant 0 : i32
      %dma_wait3A_609 = tpu.memref_slice %arg2[%add3A, %dma_wait3A_608] : memref<16x944xi32, #tpu.memory_space<hbm>> -> memref<1x944xi32, #tpu.memory_space<hbm>>
      %dma_wait3A_610 = tpu.memref_squeeze %dma_wait3A_609 : memref<1x944xi32, #tpu.memory_space<hbm>> -> memref<944xi32, #tpu.memory_space<hbm>>
      tpu.wait_dma2 semaphore(%run_scoped3A : memref<!tpu.dma_semaphore, #tpu.memory_space<semaphore_mem>>) src(%dma_wait3A_610 : memref<944xi32, #tpu.memory_space<hbm>>) dst(%arg4 : memref<944xi32, #tpu.memory_space<vmem>>)
      tpu.yield
    }) : () -> ()
    %broadcast_in_dim3A = arith.constant 0 : i32
    %broadcast_in_dim3A_1 = vector.broadcast %broadcast_in_dim3A : i32 to vector<16xi32>
    %swap3A = arith.constant 0 : index
    %swap3A_2 = tpu.vector_load %arg5[%swap3A] {strides = array<i32>} : memref<1024xi32, #tpu.memory_space<vmem>>, vector<16xi32>,
    tpu.vector_store %arg5[%swap3A], %broadcast_in_dim3A_1 {strides = array<i32>} : memref<1024xi32, #tpu.memory_space<vmem>>, vector<16xi32>,
    %swap3A_3 = arith.constant 16 : index
    %swap3A_4 = tpu.vector_load %arg5[%swap3A_3] {strides = array<i32>} : memref<1024xi32, #tpu.memory_space<vmem>>, vector<16xi32>,
    tpu.vector_store %arg5[%swap3A_3], %broadcast_in_dim3A_1 {strides = array<i32>} : memref<1024xi32, #tpu.memory_space<vmem>>, vector<16xi32>,
    %swap3A_5 = arith.constant 32 : index
    %swap3A_6 = tpu.vector_load %arg5[%swap3A_5] {strides = array<i32>} : memref<1024xi32, #tpu.memory_space<vmem>>, vector<16xi32>,
    tpu.vector_store %arg5[%swap3A_5], %broadcast_in_dim3A_1 {strides = array<i32>} : memref<1024xi32, #tpu.memory_space<vmem>>, vector<16xi32>,
    %swap3A_7 = arith.constant 48 : index
    %swap3A_8 = tpu.vector_load %arg5[%swap3A_7] {strides = array<i32>} : memref<1024xi32, #tpu.memory_space<vmem>>, vector<16xi32>,
    tpu.vector_store %arg5[%swap3A_7], %broadcast_in_dim3A_1 {strides = array<i32>} : memref<1024xi32, #tpu.memory_space<vmem>>, vector<16xi32>,
    %swap3A_9 = arith.constant 64 : index
    %swap3A_10 = tpu.vector_load %arg5[%swap3A_9] {strides = array<i32>} : memref<1024xi32, #tpu.memory_space<vmem>>, vector<16xi32>,
    tpu.vector_store %arg5[%swap3A_9], %broadcast_in_dim3A_1 {strides = array<i32>} : memref<1024xi32, #tpu.memory_space<vmem>>, vector<16xi32>,
    %swap3A_11 = arith.constant 80 : index
    %swap3A_12 = tpu.vector_load %arg5[%swap3A_11] {strides = array<i32>} : memref<1024xi32, #tpu.memory_space<vmem>>, vector<16xi32>,
    tpu.vector_store %arg5[%swap3A_11], %broadcast_in_dim3A_1 {strides = array<i32>} : memref<1024xi32, #tpu.memory_space<vmem>>, vector<16xi32>,
    %swap3A_13 = arith.constant 96 : index
    %swap3A_14 = tpu.vector_load %arg5[%swap3A_13] {strides = array<i32>} : memref<1024xi32, #tpu.memory_space<vmem>>, vector<16xi32>,
    tpu.vector_store %arg5[%swap3A_13], %broadcast_in_dim3A_1 {strides = array<i32>} : memref<1024xi32, #tpu.memory_space<vmem>>, vector<16xi32>,
    %swap3A_15 = arith.constant 112 : index
    %swap3A_16 = tpu.vector_load %arg5[%swap3A_15] {strides = array<i32>} : memref<1024xi32, #tpu.memory_space<vmem>>, vector<16xi32>,
    tpu.vector_store %arg5[%swap3A_15], %broadcast_in_dim3A_1 {strides = array<i32>} : memref<1024xi32, #tpu.memory_space<vmem>>, vector<16xi32>,
    %swap3A_17 = arith.constant 128 : index
    %swap3A_18 = tpu.vector_load %arg5[%swap3A_17] {strides = array<i32>} : memref<1024xi32, #tpu.memory_space<vmem>>, vector<16xi32>,
    tpu.vector_store %arg5[%swap3A_17], %broadcast_in_dim3A_1 {strides = array<i32>} : memref<1024xi32, #tpu.memory_space<vmem>>, vector<16xi32>,
    %swap3A_19 = arith.constant 144 : index
    %swap3A_20 = tpu.vector_load %arg5[%swap3A_19] {strides = array<i32>} : memref<1024xi32, #tpu.memory_space<vmem>>, vector<16xi32>,
    tpu.vector_store %arg5[%swap3A_19], %broadcast_in_dim3A_1 {strides = array<i32>} : memref<1024xi32, #tpu.memory_space<vmem>>, vector<16xi32>,
    %swap3A_21 = arith.constant 160 : index
    %swap3A_22 = tpu.vector_load %arg5[%swap3A_21] {strides = array<i32>} : memref<1024xi32, #tpu.memory_space<vmem>>, vector<16xi32>,
    tpu.vector_store %arg5[%swap3A_21], %broadcast_in_dim3A_1 {strides = array<i32>} : memref<1024xi32, #tpu.memory_space<vmem>>, vector<16xi32>,
    %swap3A_23 = arith.constant 176 : index
    %swap3A_24 = tpu.vector_load %arg5[%swap3A_23] {strides = array<i32>} : memref<1024xi32, #tpu.memory_space<vmem>>, vector<16xi32>,
    tpu.vector_store %arg5[%swap3A_23], %broadcast_in_dim3A_1 {strides = array<i32>} : memref<1024xi32, #tpu.memory_space<vmem>>, vector<16xi32>,
    %swap3A_25 = arith.constant 192 : index
    %swap3A_26 = tpu.vector_load %arg5[%swap3A_25] {strides = array<i32>} : memref<1024xi32, #tpu.memory_space<vmem>>, vector<16xi32>,
    tpu.vector_store %arg5[%swap3A_25], %broadcast_in_dim3A_1 {strides = array<i32>} : memref<1024xi32, #tpu.memory_space<vmem>>, vector<16xi32>,
    %swap3A_27 = arith.constant 208 : index
    %swap3A_28 = tpu.vector_load %arg5[%swap3A_27] {strides = array<i32>} : memref<1024xi32, #tpu.memory_space<vmem>>, vector<16xi32>,
    tpu.vector_store %arg5[%swap3A_27], %broadcast_in_dim3A_1 {strides = array<i32>} : memref<1024xi32, #tpu.memory_space<vmem>>, vector<16xi32>,
    %swap3A_29 = arith.constant 224 : index
    %swap3A_30 = tpu.vector_load %arg5[%swap3A_29] {strides = array<i32>} : memref<1024xi32, #tpu.memory_space<vmem>>, vector<16xi32>,
    tpu.vector_store %arg5[%swap3A_29], %broadcast_in_dim3A_1 {strides = array<i32>} : memref<1024xi32, #tpu.memory_space<vmem>>, vector<16xi32>,
    %swap3A_31 = arith.constant 240 : index
    %swap3A_32 = tpu.vector_load %arg5[%swap3A_31] {strides = array<i32>} : memref<1024xi32, #tpu.memory_space<vmem>>, vector<16xi32>,
    tpu.vector_store %arg5[%swap3A_31], %broadcast_in_dim3A_1 {strides = array<i32>} : memref<1024xi32, #tpu.memory_space<vmem>>, vector<16xi32>,
    %swap3A_33 = arith.constant 256 : index
    %swap3A_34 = tpu.vector_load %arg5[%swap3A_33] {strides = array<i32>} : memref<1024xi32, #tpu.memory_space<vmem>>, vector<16xi32>,
    tpu.vector_store %arg5[%swap3A_33], %broadcast_in_dim3A_1 {strides = array<i32>} : memref<1024xi32, #tpu.memory_space<vmem>>, vector<16xi32>,
    %swap3A_35 = arith.constant 272 : index
    %swap3A_36 = tpu.vector_load %arg5[%swap3A_35] {strides = array<i32>} : memref<1024xi32, #tpu.memory_space<vmem>>, vector<16xi32>,
    tpu.vector_store %arg5[%swap3A_35], %broadcast_in_dim3A_1 {strides = array<i32>} : memref<1024xi32, #tpu.memory_space<vmem>>, vector<16xi32>,
    %swap3A_37 = arith.constant 288 : index
    %swap3A_38 = tpu.vector_load %arg5[%swap3A_37] {strides = array<i32>} : memref<1024xi32, #tpu.memory_space<vmem>>, vector<16xi32>,
    tpu.vector_store %arg5[%swap3A_37], %broadcast_in_dim3A_1 {strides = array<i32>} : memref<1024xi32, #tpu.memory_space<vmem>>, vector<16xi32>,
    %swap3A_39 = arith.constant 304 : index
    %swap3A_40 = tpu.vector_load %arg5[%swap3A_39] {strides = array<i32>} : memref<1024xi32, #tpu.memory_space<vmem>>, vector<16xi32>,
    tpu.vector_store %arg5[%swap3A_39], %broadcast_in_dim3A_1 {strides = array<i32>} : memref<1024xi32, #tpu.memory_space<vmem>>, vector<16xi32>,
    %swap3A_41 = arith.constant 320 : index
    %swap3A_42 = tpu.vector_load %arg5[%swap3A_41] {strides = array<i32>} : memref<1024xi32, #tpu.memory_space<vmem>>, vector<16xi32>,
    tpu.vector_store %arg5[%swap3A_41], %broadcast_in_dim3A_1 {strides = array<i32>} : memref<1024xi32, #tpu.memory_space<vmem>>, vector<16xi32>,
    %swap3A_43 = arith.constant 336 : index
    %swap3A_44 = tpu.vector_load %arg5[%swap3A_43] {strides = array<i32>} : memref<1024xi32, #tpu.memory_space<vmem>>, vector<16xi32>,
    tpu.vector_store %arg5[%swap3A_43], %broadcast_in_dim3A_1 {strides = array<i32>} : memref<1024xi32, #tpu.memory_space<vmem>>, vector<16xi32>,
    %swap3A_45 = arith.constant 352 : index
    %swap3A_46 = tpu.vector_load %arg5[%swap3A_45] {strides = array<i32>} : memref<1024xi32, #tpu.memory_space<vmem>>, vector<16xi32>,
    tpu.vector_store %arg5[%swap3A_45], %broadcast_in_dim3A_1 {strides = array<i32>} : memref<1024xi32, #tpu.memory_space<vmem>>, vector<16xi32>,
    %swap3A_47 = arith.constant 368 : index
    %swap3A_48 = tpu.vector_load %arg5[%swap3A_47] {strides = array<i32>} : memref<1024xi32, #tpu.memory_space<vmem>>, vector<16xi32>,
    tpu.vector_store %arg5[%swap3A_47], %broadcast_in_dim3A_1 {strides = array<i32>} : memref<1024xi32, #tpu.memory_space<vmem>>, vector<16xi32>,
    %swap3A_49 = arith.constant 384 : index
    %swap3A_50 = tpu.vector_load %arg5[%swap3A_49] {strides = array<i32>} : memref<1024xi32, #tpu.memory_space<vmem>>, vector<16xi32>,
    tpu.vector_store %arg5[%swap3A_49], %broadcast_in_dim3A_1 {strides = array<i32>} : memref<1024xi32, #tpu.memory_space<vmem>>, vector<16xi32>,
    %swap3A_51 = arith.constant 400 : index
    %swap3A_52 = tpu.vector_load %arg5[%swap3A_51] {strides = array<i32>} : memref<1024xi32, #tpu.memory_space<vmem>>, vector<16xi32>,
    tpu.vector_store %arg5[%swap3A_51], %broadcast_in_dim3A_1 {strides = array<i32>} : memref<1024xi32, #tpu.memory_space<vmem>>, vector<16xi32>,
    %swap3A_53 = arith.constant 416 : index
    %swap3A_54 = tpu.vector_load %arg5[%swap3A_53] {strides = array<i32>} : memref<1024xi32, #tpu.memory_space<vmem>>, vector<16xi32>,
    tpu.vector_store %arg5[%swap3A_53], %broadcast_in_dim3A_1 {strides = array<i32>} : memref<1024xi32, #tpu.memory_space<vmem>>, vector<16xi32>,
    %swap3A_55 = arith.constant 432 : index
    %swap3A_56 = tpu.vector_load %arg5[%swap3A_55] {strides = array<i32>} : memref<1024xi32, #tpu.memory_space<vmem>>, vector<16xi32>,
    tpu.vector_store %arg5[%swap3A_55], %broadcast_in_dim3A_1 {strides = array<i32>} : memref<1024xi32, #tpu.memory_space<vmem>>, vector<16xi32>,
    %swap3A_57 = arith.constant 448 : index
    %swap3A_58 = tpu.vector_load %arg5[%swap3A_57] {strides = array<i32>} : memref<1024xi32, #tpu.memory_space<vmem>>, vector<16xi32>,
    tpu.vector_store %arg5[%swap3A_57], %broadcast_in_dim3A_1 {strides = array<i32>} : memref<1024xi32, #tpu.memory_space<vmem>>, vector<16xi32>,
    %swap3A_59 = arith.constant 464 : index
    %swap3A_60 = tpu.vector_load %arg5[%swap3A_59] {strides = array<i32>} : memref<1024xi32, #tpu.memory_space<vmem>>, vector<16xi32>,
    tpu.vector_store %arg5[%swap3A_59], %broadcast_in_dim3A_1 {strides = array<i32>} : memref<1024xi32, #tpu.memory_space<vmem>>, vector<16xi32>,
    %swap3A_61 = arith.constant 480 : index
    %swap3A_62 = tpu.vector_load %arg5[%swap3A_61] {strides = array<i32>} : memref<1024xi32, #tpu.memory_space<vmem>>, vector<16xi32>,
    tpu.vector_store %arg5[%swap3A_61], %broadcast_in_dim3A_1 {strides = array<i32>} : memref<1024xi32, #tpu.memory_space<vmem>>, vector<16xi32>,
    %swap3A_63 = arith.constant 496 : index
    %swap3A_64 = tpu.vector_load %arg5[%swap3A_63] {strides = array<i32>} : memref<1024xi32, #tpu.memory_space<vmem>>, vector<16xi32>,
    tpu.vector_store %arg5[%swap3A_63], %broadcast_in_dim3A_1 {strides = array<i32>} : memref<1024xi32, #tpu.memory_space<vmem>>, vector<16xi32>,
    %swap3A_65 = arith.constant 512 : index
    %swap3A_66 = tpu.vector_load %arg5[%swap3A_65] {strides = array<i32>} : memref<1024xi32, #tpu.memory_space<vmem>>, vector<16xi32>,
    tpu.vector_store %arg5[%swap3A_65], %broadcast_in_dim3A_1 {strides = array<i32>} : memref<1024xi32, #tpu.memory_space<vmem>>, vector<16xi32>,
    %swap3A_67 = arith.constant 528 : index
    %swap3A_68 = tpu.vector_load %arg5[%swap3A_67] {strides = array<i32>} : memref<1024xi32, #tpu.memory_space<vmem>>, vector<16xi32>,
    tpu.vector_store %arg5[%swap3A_67], %broadcast_in_dim3A_1 {strides = array<i32>} : memref<1024xi32, #tpu.memory_space<vmem>>, vector<16xi32>,
    %swap3A_69 = arith.constant 544 : index
    %swap3A_70 = tpu.vector_load %arg5[%swap3A_69] {strides = array<i32>} : memref<1024xi32, #tpu.memory_space<vmem>>, vector<16xi32>,
    tpu.vector_store %arg5[%swap3A_69], %broadcast_in_dim3A_1 {strides = array<i32>} : memref<1024xi32, #tpu.memory_space<vmem>>, vector<16xi32>,
    %swap3A_71 = arith.constant 560 : index
    %swap3A_72 = tpu.vector_load %arg5[%swap3A_71] {strides = array<i32>} : memref<1024xi32, #tpu.memory_space<vmem>>, vector<16xi32>,
    tpu.vector_store %arg5[%swap3A_71], %broadcast_in_dim3A_1 {strides = array<i32>} : memref<1024xi32, #tpu.memory_space<vmem>>, vector<16xi32>,
    %swap3A_73 = arith.constant 576 : index
    %swap3A_74 = tpu.vector_load %arg5[%swap3A_73] {strides = array<i32>} : memref<1024xi32, #tpu.memory_space<vmem>>, vector<16xi32>,
    tpu.vector_store %arg5[%swap3A_73], %broadcast_in_dim3A_1 {strides = array<i32>} : memref<1024xi32, #tpu.memory_space<vmem>>, vector<16xi32>,
    %swap3A_75 = arith.constant 592 : index
    %swap3A_76 = tpu.vector_load %arg5[%swap3A_75] {strides = array<i32>} : memref<1024xi32, #tpu.memory_space<vmem>>, vector<16xi32>,
    tpu.vector_store %arg5[%swap3A_75], %broadcast_in_dim3A_1 {strides = array<i32>} : memref<1024xi32, #tpu.memory_space<vmem>>, vector<16xi32>,
    %swap3A_77 = arith.constant 608 : index
    %swap3A_78 = tpu.vector_load %arg5[%swap3A_77] {strides = array<i32>} : memref<1024xi32, #tpu.memory_space<vmem>>, vector<16xi32>,
    tpu.vector_store %arg5[%swap3A_77], %broadcast_in_dim3A_1 {strides = array<i32>} : memref<1024xi32, #tpu.memory_space<vmem>>, vector<16xi32>,
    %swap3A_79 = arith.constant 624 : index
    %swap3A_80 = tpu.vector_load %arg5[%swap3A_79] {strides = array<i32>} : memref<1024xi32, #tpu.memory_space<vmem>>, vector<16xi32>,
    tpu.vector_store %arg5[%swap3A_79], %broadcast_in_dim3A_1 {strides = array<i32>} : memref<1024xi32, #tpu.memory_space<vmem>>, vector<16xi32>,
    %swap3A_81 = arith.constant 640 : index
    %swap3A_82 = tpu.vector_load %arg5[%swap3A_81] {strides = array<i32>} : memref<1024xi32, #tpu.memory_space<vmem>>, vector<16xi32>,
    tpu.vector_store %arg5[%swap3A_81], %broadcast_in_dim3A_1 {strides = array<i32>} : memref<1024xi32, #tpu.memory_space<vmem>>, vector<16xi32>,
    %swap3A_83 = arith.constant 656 : index
    %swap3A_84 = tpu.vector_load %arg5[%swap3A_83] {strides = array<i32>} : memref<1024xi32, #tpu.memory_space<vmem>>, vector<16xi32>,
    tpu.vector_store %arg5[%swap3A_83], %broadcast_in_dim3A_1 {strides = array<i32>} : memref<1024xi32, #tpu.memory_space<vmem>>, vector<16xi32>,
    %swap3A_85 = arith.constant 672 : index
    %swap3A_86 = tpu.vector_load %arg5[%swap3A_85] {strides = array<i32>} : memref<1024xi32, #tpu.memory_space<vmem>>, vector<16xi32>,
    tpu.vector_store %arg5[%swap3A_85], %broadcast_in_dim3A_1 {strides = array<i32>} : memref<1024xi32, #tpu.memory_space<vmem>>, vector<16xi32>,
    %swap3A_87 = arith.constant 688 : index
    %swap3A_88 = tpu.vector_load %arg5[%swap3A_87] {strides = array<i32>} : memref<1024xi32, #tpu.memory_space<vmem>>, vector<16xi32>,
    tpu.vector_store %arg5[%swap3A_87], %broadcast_in_dim3A_1 {strides = array<i32>} : memref<1024xi32, #tpu.memory_space<vmem>>, vector<16xi32>,
    %swap3A_89 = arith.constant 704 : index
    %swap3A_90 = tpu.vector_load %arg5[%swap3A_89] {strides = array<i32>} : memref<1024xi32, #tpu.memory_space<vmem>>, vector<16xi32>,
    tpu.vector_store %arg5[%swap3A_89], %broadcast_in_dim3A_1 {strides = array<i32>} : memref<1024xi32, #tpu.memory_space<vmem>>, vector<16xi32>,
    %swap3A_91 = arith.constant 720 : index
    %swap3A_92 = tpu.vector_load %arg5[%swap3A_91] {strides = array<i32>} : memref<1024xi32, #tpu.memory_space<vmem>>, vector<16xi32>,
    tpu.vector_store %arg5[%swap3A_91], %broadcast_in_dim3A_1 {strides = array<i32>} : memref<1024xi32, #tpu.memory_space<vmem>>, vector<16xi32>,
    %swap3A_93 = arith.constant 736 : index
    %swap3A_94 = tpu.vector_load %arg5[%swap3A_93] {strides = array<i32>} : memref<1024xi32, #tpu.memory_space<vmem>>, vector<16xi32>,
    tpu.vector_store %arg5[%swap3A_93], %broadcast_in_dim3A_1 {strides = array<i32>} : memref<1024xi32, #tpu.memory_space<vmem>>, vector<16xi32>,
    %swap3A_95 = arith.constant 752 : index
    %swap3A_96 = tpu.vector_load %arg5[%swap3A_95] {strides = array<i32>} : memref<1024xi32, #tpu.memory_space<vmem>>, vector<16xi32>,
    tpu.vector_store %arg5[%swap3A_95], %broadcast_in_dim3A_1 {strides = array<i32>} : memref<1024xi32, #tpu.memory_space<vmem>>, vector<16xi32>,
    %swap3A_97 = arith.constant 768 : index
    %swap3A_98 = tpu.vector_load %arg5[%swap3A_97] {strides = array<i32>} : memref<1024xi32, #tpu.memory_space<vmem>>, vector<16xi32>,
    tpu.vector_store %arg5[%swap3A_97], %broadcast_in_dim3A_1 {strides = array<i32>} : memref<1024xi32, #tpu.memory_space<vmem>>, vector<16xi32>,
    %swap3A_99 = arith.constant 784 : index
    %swap3A_100 = tpu.vector_load %arg5[%swap3A_99] {strides = array<i32>} : memref<1024xi32, #tpu.memory_space<vmem>>, vector<16xi32>,
    tpu.vector_store %arg5[%swap3A_99], %broadcast_in_dim3A_1 {strides = array<i32>} : memref<1024xi32, #tpu.memory_space<vmem>>, vector<16xi32>,
    %swap3A_101 = arith.constant 800 : index
    %swap3A_102 = tpu.vector_load %arg5[%swap3A_101] {strides = array<i32>} : memref<1024xi32, #tpu.memory_space<vmem>>, vector<16xi32>,
    tpu.vector_store %arg5[%swap3A_101], %broadcast_in_dim3A_1 {strides = array<i32>} : memref<1024xi32, #tpu.memory_space<vmem>>, vector<16xi32>,
    %swap3A_103 = arith.constant 816 : index
    %swap3A_104 = tpu.vector_load %arg5[%swap3A_103] {strides = array<i32>} : memref<1024xi32, #tpu.memory_space<vmem>>, vector<16xi32>,
    tpu.vector_store %arg5[%swap3A_103], %broadcast_in_dim3A_1 {strides = array<i32>} : memref<1024xi32, #tpu.memory_space<vmem>>, vector<16xi32>,
    %swap3A_105 = arith.constant 832 : index
    %swap3A_106 = tpu.vector_load %arg5[%swap3A_105] {strides = array<i32>} : memref<1024xi32, #tpu.memory_space<vmem>>, vector<16xi32>,
    tpu.vector_store %arg5[%swap3A_105], %broadcast_in_dim3A_1 {strides = array<i32>} : memref<1024xi32, #tpu.memory_space<vmem>>, vector<16xi32>,
    %swap3A_107 = arith.constant 848 : index
    %swap3A_108 = tpu.vector_load %arg5[%swap3A_107] {strides = array<i32>} : memref<1024xi32, #tpu.memory_space<vmem>>, vector<16xi32>,
    tpu.vector_store %arg5[%swap3A_107], %broadcast_in_dim3A_1 {strides = array<i32>} : memref<1024xi32, #tpu.memory_space<vmem>>, vector<16xi32>,
    %swap3A_109 = arith.constant 864 : index
    %swap3A_110 = tpu.vector_load %arg5[%swap3A_109] {strides = array<i32>} : memref<1024xi32, #tpu.memory_space<vmem>>, vector<16xi32>,
    tpu.vector_store %arg5[%swap3A_109], %broadcast_in_dim3A_1 {strides = array<i32>} : memref<1024xi32, #tpu.memory_space<vmem>>, vector<16xi32>,
    %swap3A_111 = arith.constant 880 : index
    %swap3A_112 = tpu.vector_load %arg5[%swap3A_111] {strides = array<i32>} : memref<1024xi32, #tpu.memory_space<vmem>>, vector<16xi32>,
    tpu.vector_store %arg5[%swap3A_111], %broadcast_in_dim3A_1 {strides = array<i32>} : memref<1024xi32, #tpu.memory_space<vmem>>, vector<16xi32>,
    %swap3A_113 = arith.constant 896 : index
    %swap3A_114 = tpu.vector_load %arg5[%swap3A_113] {strides = array<i32>} : memref<1024xi32, #tpu.memory_space<vmem>>, vector<16xi32>,
    tpu.vector_store %arg5[%swap3A_113], %broadcast_in_dim3A_1 {strides = array<i32>} : memref<1024xi32, #tpu.memory_space<vmem>>, vector<16xi32>,
    %swap3A_115 = arith.constant 912 : index
    %swap3A_116 = tpu.vector_load %arg5[%swap3A_115] {strides = array<i32>} : memref<1024xi32, #tpu.memory_space<vmem>>, vector<16xi32>,
    tpu.vector_store %arg5[%swap3A_115], %broadcast_in_dim3A_1 {strides = array<i32>} : memref<1024xi32, #tpu.memory_space<vmem>>, vector<16xi32>,
    %swap3A_117 = arith.constant 928 : index
    %swap3A_118 = tpu.vector_load %arg5[%swap3A_117] {strides = array<i32>} : memref<1024xi32, #tpu.memory_space<vmem>>, vector<16xi32>,
    tpu.vector_store %arg5[%swap3A_117], %broadcast_in_dim3A_1 {strides = array<i32>} : memref<1024xi32, #tpu.memory_space<vmem>>, vector<16xi32>,
    %swap3A_119 = arith.constant 944 : index
    %swap3A_120 = tpu.vector_load %arg5[%swap3A_119] {strides = array<i32>} : memref<1024xi32, #tpu.memory_space<vmem>>, vector<16xi32>,
    tpu.vector_store %arg5[%swap3A_119], %broadcast_in_dim3A_1 {strides = array<i32>} : memref<1024xi32, #tpu.memory_space<vmem>>, vector<16xi32>,
    %swap3A_121 = arith.constant 960 : index
    %swap3A_122 = tpu.vector_load %arg5[%swap3A_121] {strides = array<i32>} : memref<1024xi32, #tpu.memory_space<vmem>>, vector<16xi32>,
    tpu.vector_store %arg5[%swap3A_121], %broadcast_in_dim3A_1 {strides = array<i32>} : memref<1024xi32, #tpu.memory_space<vmem>>, vector<16xi32>,
    %swap3A_123 = arith.constant 976 : index
    %swap3A_124 = tpu.vector_load %arg5[%swap3A_123] {strides = array<i32>} : memref<1024xi32, #tpu.memory_space<vmem>>, vector<16xi32>,
    tpu.vector_store %arg5[%swap3A_123], %broadcast_in_dim3A_1 {strides = array<i32>} : memref<1024xi32, #tpu.memory_space<vmem>>, vector<16xi32>,
    %swap3A_125 = arith.constant 992 : index
    %swap3A_126 = tpu.vector_load %arg5[%swap3A_125] {strides = array<i32>} : memref<1024xi32, #tpu.memory_space<vmem>>, vector<16xi32>,
    tpu.vector_store %arg5[%swap3A_125], %broadcast_in_dim3A_1 {strides = array<i32>} : memref<1024xi32, #tpu.memory_space<vmem>>, vector<16xi32>,
    %swap3A_127 = arith.constant 1008 : index
    %swap3A_128 = tpu.vector_load %arg5[%swap3A_127] {strides = array<i32>} : memref<1024xi32, #tpu.memory_space<vmem>>, vector<16xi32>,
    tpu.vector_store %arg5[%swap3A_127], %broadcast_in_dim3A_1 {strides = array<i32>} : memref<1024xi32, #tpu.memory_space<vmem>>, vector<16xi32>,
    %broadcast_in_dim3A_129 = arith.constant 1 : i32
    %broadcast_in_dim3A_130 = vector.broadcast %broadcast_in_dim3A_129 : i32 to vector<16xi32>
    %get3A = arith.constant 0 : index
    %get3A_131 = tpu.vector_load %arg4[%get3A] {strides = array<i32>} : memref<944xi32, #tpu.memory_space<vmem>>, vector<16xi32>,
    %ge3A = arith.constant 0 : i32
    %ge3A_132 = vector.broadcast %ge3A : i32 to vector<16xi32>
    %ge3A_133 = arith.cmpi sge, %get3A_131, %ge3A_132 : vector<16xi32>
    %jit3A = arith.constant 0 : i32
    %broadcast_in_dim3A_134 = vector.broadcast %jit3A : i32 to vector<16xi32>
    %select_n3A = arith.select %ge3A_133, %get3A_131, %broadcast_in_dim3A_134 : vector<16xi1>, vector<16xi32>
    tpu.vector_store_idx %arg5[%select_n3A], %broadcast_in_dim3A_130 masked %ge3A_133 : memref<1024xi32, #tpu.memory_space<vmem>>[vector<16xi32>], vector<16xi32>, vector<16xi1>
    %get3A_135 = arith.constant 16 : index
    %get3A_136 = tpu.vector_load %arg4[%get3A_135] {strides = array<i32>} : memref<944xi32, #tpu.memory_space<vmem>>, vector<16xi32>,
    %ge3A_137 = arith.constant 0 : i32
    %ge3A_138 = vector.broadcast %ge3A_137 : i32 to vector<16xi32>
    %ge3A_139 = arith.cmpi sge, %get3A_136, %ge3A_138 : vector<16xi32>
    %jit3A_140 = arith.constant 0 : i32
    %broadcast_in_dim3A_141 = vector.broadcast %jit3A_140 : i32 to vector<16xi32>
    %select_n3A_142 = arith.select %ge3A_139, %get3A_136, %broadcast_in_dim3A_141 : vector<16xi1>, vector<16xi32>
    tpu.vector_store_idx %arg5[%select_n3A_142], %broadcast_in_dim3A_130 masked %ge3A_139 : memref<1024xi32, #tpu.memory_space<vmem>>[vector<16xi32>], vector<16xi32>, vector<16xi1>
    %get3A_143 = arith.constant 32 : index
    %get3A_144 = tpu.vector_load %arg4[%get3A_143] {strides = array<i32>} : memref<944xi32, #tpu.memory_space<vmem>>, vector<16xi32>,
    %ge3A_145 = arith.constant 0 : i32
    %ge3A_146 = vector.broadcast %ge3A_145 : i32 to vector<16xi32>
    %ge3A_147 = arith.cmpi sge, %get3A_144, %ge3A_146 : vector<16xi32>
    %jit3A_148 = arith.constant 0 : i32
    %broadcast_in_dim3A_149 = vector.broadcast %jit3A_148 : i32 to vector<16xi32>
    %select_n3A_150 = arith.select %ge3A_147, %get3A_144, %broadcast_in_dim3A_149 : vector<16xi1>, vector<16xi32>
    tpu.vector_store_idx %arg5[%select_n3A_150], %broadcast_in_dim3A_130 masked %ge3A_147 : memref<1024xi32, #tpu.memory_space<vmem>>[vector<16xi32>], vector<16xi32>, vector<16xi1>
    %get3A_151 = arith.constant 48 : index
    %get3A_152 = tpu.vector_load %arg4[%get3A_151] {strides = array<i32>} : memref<944xi32, #tpu.memory_space<vmem>>, vector<16xi32>,
    %ge3A_153 = arith.constant 0 : i32
    %ge3A_154 = vector.broadcast %ge3A_153 : i32 to vector<16xi32>
    %ge3A_155 = arith.cmpi sge, %get3A_152, %ge3A_154 : vector<16xi32>
    %jit3A_156 = arith.constant 0 : i32
    %broadcast_in_dim3A_157 = vector.broadcast %jit3A_156 : i32 to vector<16xi32>
    %select_n3A_158 = arith.select %ge3A_155, %get3A_152, %broadcast_in_dim3A_157 : vector<16xi1>, vector<16xi32>
    tpu.vector_store_idx %arg5[%select_n3A_158], %broadcast_in_dim3A_130 masked %ge3A_155 : memref<1024xi32, #tpu.memory_space<vmem>>[vector<16xi32>], vector<16xi32>, vector<16xi1>
    %get3A_159 = arith.constant 64 : index
    %get3A_160 = tpu.vector_load %arg4[%get3A_159] {strides = array<i32>} : memref<944xi32, #tpu.memory_space<vmem>>, vector<16xi32>,
    %ge3A_161 = arith.constant 0 : i32
    %ge3A_162 = vector.broadcast %ge3A_161 : i32 to vector<16xi32>
    %ge3A_163 = arith.cmpi sge, %get3A_160, %ge3A_162 : vector<16xi32>
    %jit3A_164 = arith.constant 0 : i32
    %broadcast_in_dim3A_165 = vector.broadcast %jit3A_164 : i32 to vector<16xi32>
    %select_n3A_166 = arith.select %ge3A_163, %get3A_160, %broadcast_in_dim3A_165 : vector<16xi1>, vector<16xi32>
    tpu.vector_store_idx %arg5[%select_n3A_166], %broadcast_in_dim3A_130 masked %ge3A_163 : memref<1024xi32, #tpu.memory_space<vmem>>[vector<16xi32>], vector<16xi32>, vector<16xi1>
    %get3A_167 = arith.constant 80 : index
    %get3A_168 = tpu.vector_load %arg4[%get3A_167] {strides = array<i32>} : memref<944xi32, #tpu.memory_space<vmem>>, vector<16xi32>,
    %ge3A_169 = arith.constant 0 : i32
    %ge3A_170 = vector.broadcast %ge3A_169 : i32 to vector<16xi32>
    %ge3A_171 = arith.cmpi sge, %get3A_168, %ge3A_170 : vector<16xi32>
    %jit3A_172 = arith.constant 0 : i32
    %broadcast_in_dim3A_173 = vector.broadcast %jit3A_172 : i32 to vector<16xi32>
    %select_n3A_174 = arith.select %ge3A_171, %get3A_168, %broadcast_in_dim3A_173 : vector<16xi1>, vector<16xi32>
    tpu.vector_store_idx %arg5[%select_n3A_174], %broadcast_in_dim3A_130 masked %ge3A_171 : memref<1024xi32, #tpu.memory_space<vmem>>[vector<16xi32>], vector<16xi32>, vector<16xi1>
    %get3A_175 = arith.constant 96 : index
    %get3A_176 = tpu.vector_load %arg4[%get3A_175] {strides = array<i32>} : memref<944xi32, #tpu.memory_space<vmem>>, vector<16xi32>,
    %ge3A_177 = arith.constant 0 : i32
    %ge3A_178 = vector.broadcast %ge3A_177 : i32 to vector<16xi32>
    %ge3A_179 = arith.cmpi sge, %get3A_176, %ge3A_178 : vector<16xi32>
    %jit3A_180 = arith.constant 0 : i32
    %broadcast_in_dim3A_181 = vector.broadcast %jit3A_180 : i32 to vector<16xi32>
    %select_n3A_182 = arith.select %ge3A_179, %get3A_176, %broadcast_in_dim3A_181 : vector<16xi1>, vector<16xi32>
    tpu.vector_store_idx %arg5[%select_n3A_182], %broadcast_in_dim3A_130 masked %ge3A_179 : memref<1024xi32, #tpu.memory_space<vmem>>[vector<16xi32>], vector<16xi32>, vector<16xi1>
    %get3A_183 = arith.constant 112 : index
    %get3A_184 = tpu.vector_load %arg4[%get3A_183] {strides = array<i32>} : memref<944xi32, #tpu.memory_space<vmem>>, vector<16xi32>,
    %ge3A_185 = arith.constant 0 : i32
    %ge3A_186 = vector.broadcast %ge3A_185 : i32 to vector<16xi32>
    %ge3A_187 = arith.cmpi sge, %get3A_184, %ge3A_186 : vector<16xi32>
    %jit3A_188 = arith.constant 0 : i32
    %broadcast_in_dim3A_189 = vector.broadcast %jit3A_188 : i32 to vector<16xi32>
    %select_n3A_190 = arith.select %ge3A_187, %get3A_184, %broadcast_in_dim3A_189 : vector<16xi1>, vector<16xi32>
    tpu.vector_store_idx %arg5[%select_n3A_190], %broadcast_in_dim3A_130 masked %ge3A_187 : memref<1024xi32, #tpu.memory_space<vmem>>[vector<16xi32>], vector<16xi32>, vector<16xi1>
    %get3A_191 = arith.constant 128 : index
    %get3A_192 = tpu.vector_load %arg4[%get3A_191] {strides = array<i32>} : memref<944xi32, #tpu.memory_space<vmem>>, vector<16xi32>,
    %ge3A_193 = arith.constant 0 : i32
    %ge3A_194 = vector.broadcast %ge3A_193 : i32 to vector<16xi32>
    %ge3A_195 = arith.cmpi sge, %get3A_192, %ge3A_194 : vector<16xi32>
    %jit3A_196 = arith.constant 0 : i32
    %broadcast_in_dim3A_197 = vector.broadcast %jit3A_196 : i32 to vector<16xi32>
    %select_n3A_198 = arith.select %ge3A_195, %get3A_192, %broadcast_in_dim3A_197 : vector<16xi1>, vector<16xi32>
    tpu.vector_store_idx %arg5[%select_n3A_198], %broadcast_in_dim3A_130 masked %ge3A_195 : memref<1024xi32, #tpu.memory_space<vmem>>[vector<16xi32>], vector<16xi32>, vector<16xi1>
    %get3A_199 = arith.constant 144 : index
    %get3A_200 = tpu.vector_load %arg4[%get3A_199] {strides = array<i32>} : memref<944xi32, #tpu.memory_space<vmem>>, vector<16xi32>,
    %ge3A_201 = arith.constant 0 : i32
    %ge3A_202 = vector.broadcast %ge3A_201 : i32 to vector<16xi32>
    %ge3A_203 = arith.cmpi sge, %get3A_200, %ge3A_202 : vector<16xi32>
    %jit3A_204 = arith.constant 0 : i32
    %broadcast_in_dim3A_205 = vector.broadcast %jit3A_204 : i32 to vector<16xi32>
    %select_n3A_206 = arith.select %ge3A_203, %get3A_200, %broadcast_in_dim3A_205 : vector<16xi1>, vector<16xi32>
    tpu.vector_store_idx %arg5[%select_n3A_206], %broadcast_in_dim3A_130 masked %ge3A_203 : memref<1024xi32, #tpu.memory_space<vmem>>[vector<16xi32>], vector<16xi32>, vector<16xi1>
    %get3A_207 = arith.constant 160 : index
    %get3A_208 = tpu.vector_load %arg4[%get3A_207] {strides = array<i32>} : memref<944xi32, #tpu.memory_space<vmem>>, vector<16xi32>,
    %ge3A_209 = arith.constant 0 : i32
    %ge3A_210 = vector.broadcast %ge3A_209 : i32 to vector<16xi32>
    %ge3A_211 = arith.cmpi sge, %get3A_208, %ge3A_210 : vector<16xi32>
    %jit3A_212 = arith.constant 0 : i32
    %broadcast_in_dim3A_213 = vector.broadcast %jit3A_212 : i32 to vector<16xi32>
    %select_n3A_214 = arith.select %ge3A_211, %get3A_208, %broadcast_in_dim3A_213 : vector<16xi1>, vector<16xi32>
    tpu.vector_store_idx %arg5[%select_n3A_214], %broadcast_in_dim3A_130 masked %ge3A_211 : memref<1024xi32, #tpu.memory_space<vmem>>[vector<16xi32>], vector<16xi32>, vector<16xi1>
    %get3A_215 = arith.constant 176 : index
    %get3A_216 = tpu.vector_load %arg4[%get3A_215] {strides = array<i32>} : memref<944xi32, #tpu.memory_space<vmem>>, vector<16xi32>,
    %ge3A_217 = arith.constant 0 : i32
    %ge3A_218 = vector.broadcast %ge3A_217 : i32 to vector<16xi32>
    %ge3A_219 = arith.cmpi sge, %get3A_216, %ge3A_218 : vector<16xi32>
    %jit3A_220 = arith.constant 0 : i32
    %broadcast_in_dim3A_221 = vector.broadcast %jit3A_220 : i32 to vector<16xi32>
    %select_n3A_222 = arith.select %ge3A_219, %get3A_216, %broadcast_in_dim3A_221 : vector<16xi1>, vector<16xi32>
    tpu.vector_store_idx %arg5[%select_n3A_222], %broadcast_in_dim3A_130 masked %ge3A_219 : memref<1024xi32, #tpu.memory_space<vmem>>[vector<16xi32>], vector<16xi32>, vector<16xi1>
    %get3A_223 = arith.constant 192 : index
    %get3A_224 = tpu.vector_load %arg4[%get3A_223] {strides = array<i32>} : memref<944xi32, #tpu.memory_space<vmem>>, vector<16xi32>,
    %ge3A_225 = arith.constant 0 : i32
    %ge3A_226 = vector.broadcast %ge3A_225 : i32 to vector<16xi32>
    %ge3A_227 = arith.cmpi sge, %get3A_224, %ge3A_226 : vector<16xi32>
    %jit3A_228 = arith.constant 0 : i32
    %broadcast_in_dim3A_229 = vector.broadcast %jit3A_228 : i32 to vector<16xi32>
    %select_n3A_230 = arith.select %ge3A_227, %get3A_224, %broadcast_in_dim3A_229 : vector<16xi1>, vector<16xi32>
    tpu.vector_store_idx %arg5[%select_n3A_230], %broadcast_in_dim3A_130 masked %ge3A_227 : memref<1024xi32, #tpu.memory_space<vmem>>[vector<16xi32>], vector<16xi32>, vector<16xi1>
    %get3A_231 = arith.constant 208 : index
    %get3A_232 = tpu.vector_load %arg4[%get3A_231] {strides = array<i32>} : memref<944xi32, #tpu.memory_space<vmem>>, vector<16xi32>,
    %ge3A_233 = arith.constant 0 : i32
    %ge3A_234 = vector.broadcast %ge3A_233 : i32 to vector<16xi32>
    %ge3A_235 = arith.cmpi sge, %get3A_232, %ge3A_234 : vector<16xi32>
    %jit3A_236 = arith.constant 0 : i32
    %broadcast_in_dim3A_237 = vector.broadcast %jit3A_236 : i32 to vector<16xi32>
    %select_n3A_238 = arith.select %ge3A_235, %get3A_232, %broadcast_in_dim3A_237 : vector<16xi1>, vector<16xi32>
    tpu.vector_store_idx %arg5[%select_n3A_238], %broadcast_in_dim3A_130 masked %ge3A_235 : memref<1024xi32, #tpu.memory_space<vmem>>[vector<16xi32>], vector<16xi32>, vector<16xi1>
    %get3A_239 = arith.constant 224 : index
    %get3A_240 = tpu.vector_load %arg4[%get3A_239] {strides = array<i32>} : memref<944xi32, #tpu.memory_space<vmem>>, vector<16xi32>,
    %ge3A_241 = arith.constant 0 : i32
    %ge3A_242 = vector.broadcast %ge3A_241 : i32 to vector<16xi32>
    %ge3A_243 = arith.cmpi sge, %get3A_240, %ge3A_242 : vector<16xi32>
    %jit3A_244 = arith.constant 0 : i32
    %broadcast_in_dim3A_245 = vector.broadcast %jit3A_244 : i32 to vector<16xi32>
    %select_n3A_246 = arith.select %ge3A_243, %get3A_240, %broadcast_in_dim3A_245 : vector<16xi1>, vector<16xi32>
    tpu.vector_store_idx %arg5[%select_n3A_246], %broadcast_in_dim3A_130 masked %ge3A_243 : memref<1024xi32, #tpu.memory_space<vmem>>[vector<16xi32>], vector<16xi32>, vector<16xi1>
    %get3A_247 = arith.constant 240 : index
    %get3A_248 = tpu.vector_load %arg4[%get3A_247] {strides = array<i32>} : memref<944xi32, #tpu.memory_space<vmem>>, vector<16xi32>,
    %ge3A_249 = arith.constant 0 : i32
    %ge3A_250 = vector.broadcast %ge3A_249 : i32 to vector<16xi32>
    %ge3A_251 = arith.cmpi sge, %get3A_248, %ge3A_250 : vector<16xi32>
    %jit3A_252 = arith.constant 0 : i32
    %broadcast_in_dim3A_253 = vector.broadcast %jit3A_252 : i32 to vector<16xi32>
    %select_n3A_254 = arith.select %ge3A_251, %get3A_248, %broadcast_in_dim3A_253 : vector<16xi1>, vector<16xi32>
    tpu.vector_store_idx %arg5[%select_n3A_254], %broadcast_in_dim3A_130 masked %ge3A_251 : memref<1024xi32, #tpu.memory_space<vmem>>[vector<16xi32>], vector<16xi32>, vector<16xi1>
    %get3A_255 = arith.constant 256 : index
    %get3A_256 = tpu.vector_load %arg4[%get3A_255] {strides = array<i32>} : memref<944xi32, #tpu.memory_space<vmem>>, vector<16xi32>,
    %ge3A_257 = arith.constant 0 : i32
    %ge3A_258 = vector.broadcast %ge3A_257 : i32 to vector<16xi32>
    %ge3A_259 = arith.cmpi sge, %get3A_256, %ge3A_258 : vector<16xi32>
    %jit3A_260 = arith.constant 0 : i32
    %broadcast_in_dim3A_261 = vector.broadcast %jit3A_260 : i32 to vector<16xi32>
    %select_n3A_262 = arith.select %ge3A_259, %get3A_256, %broadcast_in_dim3A_261 : vector<16xi1>, vector<16xi32>
    tpu.vector_store_idx %arg5[%select_n3A_262], %broadcast_in_dim3A_130 masked %ge3A_259 : memref<1024xi32, #tpu.memory_space<vmem>>[vector<16xi32>], vector<16xi32>, vector<16xi1>
    %get3A_263 = arith.constant 272 : index
    %get3A_264 = tpu.vector_load %arg4[%get3A_263] {strides = array<i32>} : memref<944xi32, #tpu.memory_space<vmem>>, vector<16xi32>,
    %ge3A_265 = arith.constant 0 : i32
    %ge3A_266 = vector.broadcast %ge3A_265 : i32 to vector<16xi32>
    %ge3A_267 = arith.cmpi sge, %get3A_264, %ge3A_266 : vector<16xi32>
    %jit3A_268 = arith.constant 0 : i32
    %broadcast_in_dim3A_269 = vector.broadcast %jit3A_268 : i32 to vector<16xi32>
    %select_n3A_270 = arith.select %ge3A_267, %get3A_264, %broadcast_in_dim3A_269 : vector<16xi1>, vector<16xi32>
    tpu.vector_store_idx %arg5[%select_n3A_270], %broadcast_in_dim3A_130 masked %ge3A_267 : memref<1024xi32, #tpu.memory_space<vmem>>[vector<16xi32>], vector<16xi32>, vector<16xi1>
    %get3A_271 = arith.constant 288 : index
    %get3A_272 = tpu.vector_load %arg4[%get3A_271] {strides = array<i32>} : memref<944xi32, #tpu.memory_space<vmem>>, vector<16xi32>,
    %ge3A_273 = arith.constant 0 : i32
    %ge3A_274 = vector.broadcast %ge3A_273 : i32 to vector<16xi32>
    %ge3A_275 = arith.cmpi sge, %get3A_272, %ge3A_274 : vector<16xi32>
    %jit3A_276 = arith.constant 0 : i32
    %broadcast_in_dim3A_277 = vector.broadcast %jit3A_276 : i32 to vector<16xi32>
    %select_n3A_278 = arith.select %ge3A_275, %get3A_272, %broadcast_in_dim3A_277 : vector<16xi1>, vector<16xi32>
    tpu.vector_store_idx %arg5[%select_n3A_278], %broadcast_in_dim3A_130 masked %ge3A_275 : memref<1024xi32, #tpu.memory_space<vmem>>[vector<16xi32>], vector<16xi32>, vector<16xi1>
    %get3A_279 = arith.constant 304 : index
    %get3A_280 = tpu.vector_load %arg4[%get3A_279] {strides = array<i32>} : memref<944xi32, #tpu.memory_space<vmem>>, vector<16xi32>,
    %ge3A_281 = arith.constant 0 : i32
    %ge3A_282 = vector.broadcast %ge3A_281 : i32 to vector<16xi32>
    %ge3A_283 = arith.cmpi sge, %get3A_280, %ge3A_282 : vector<16xi32>
    %jit3A_284 = arith.constant 0 : i32
    %broadcast_in_dim3A_285 = vector.broadcast %jit3A_284 : i32 to vector<16xi32>
    %select_n3A_286 = arith.select %ge3A_283, %get3A_280, %broadcast_in_dim3A_285 : vector<16xi1>, vector<16xi32>
    tpu.vector_store_idx %arg5[%select_n3A_286], %broadcast_in_dim3A_130 masked %ge3A_283 : memref<1024xi32, #tpu.memory_space<vmem>>[vector<16xi32>], vector<16xi32>, vector<16xi1>
    %get3A_287 = arith.constant 320 : index
    %get3A_288 = tpu.vector_load %arg4[%get3A_287] {strides = array<i32>} : memref<944xi32, #tpu.memory_space<vmem>>, vector<16xi32>,
    %ge3A_289 = arith.constant 0 : i32
    %ge3A_290 = vector.broadcast %ge3A_289 : i32 to vector<16xi32>
    %ge3A_291 = arith.cmpi sge, %get3A_288, %ge3A_290 : vector<16xi32>
    %jit3A_292 = arith.constant 0 : i32
    %broadcast_in_dim3A_293 = vector.broadcast %jit3A_292 : i32 to vector<16xi32>
    %select_n3A_294 = arith.select %ge3A_291, %get3A_288, %broadcast_in_dim3A_293 : vector<16xi1>, vector<16xi32>
    tpu.vector_store_idx %arg5[%select_n3A_294], %broadcast_in_dim3A_130 masked %ge3A_291 : memref<1024xi32, #tpu.memory_space<vmem>>[vector<16xi32>], vector<16xi32>, vector<16xi1>
    %get3A_295 = arith.constant 336 : index
    %get3A_296 = tpu.vector_load %arg4[%get3A_295] {strides = array<i32>} : memref<944xi32, #tpu.memory_space<vmem>>, vector<16xi32>,
    %ge3A_297 = arith.constant 0 : i32
    %ge3A_298 = vector.broadcast %ge3A_297 : i32 to vector<16xi32>
    %ge3A_299 = arith.cmpi sge, %get3A_296, %ge3A_298 : vector<16xi32>
    %jit3A_300 = arith.constant 0 : i32
    %broadcast_in_dim3A_301 = vector.broadcast %jit3A_300 : i32 to vector<16xi32>
    %select_n3A_302 = arith.select %ge3A_299, %get3A_296, %broadcast_in_dim3A_301 : vector<16xi1>, vector<16xi32>
    tpu.vector_store_idx %arg5[%select_n3A_302], %broadcast_in_dim3A_130 masked %ge3A_299 : memref<1024xi32, #tpu.memory_space<vmem>>[vector<16xi32>], vector<16xi32>, vector<16xi1>
    %get3A_303 = arith.constant 352 : index
    %get3A_304 = tpu.vector_load %arg4[%get3A_303] {strides = array<i32>} : memref<944xi32, #tpu.memory_space<vmem>>, vector<16xi32>,
    %ge3A_305 = arith.constant 0 : i32
    %ge3A_306 = vector.broadcast %ge3A_305 : i32 to vector<16xi32>
    %ge3A_307 = arith.cmpi sge, %get3A_304, %ge3A_306 : vector<16xi32>
    %jit3A_308 = arith.constant 0 : i32
    %broadcast_in_dim3A_309 = vector.broadcast %jit3A_308 : i32 to vector<16xi32>
    %select_n3A_310 = arith.select %ge3A_307, %get3A_304, %broadcast_in_dim3A_309 : vector<16xi1>, vector<16xi32>
    tpu.vector_store_idx %arg5[%select_n3A_310], %broadcast_in_dim3A_130 masked %ge3A_307 : memref<1024xi32, #tpu.memory_space<vmem>>[vector<16xi32>], vector<16xi32>, vector<16xi1>
    %get3A_311 = arith.constant 368 : index
    %get3A_312 = tpu.vector_load %arg4[%get3A_311] {strides = array<i32>} : memref<944xi32, #tpu.memory_space<vmem>>, vector<16xi32>,
    %ge3A_313 = arith.constant 0 : i32
    %ge3A_314 = vector.broadcast %ge3A_313 : i32 to vector<16xi32>
    %ge3A_315 = arith.cmpi sge, %get3A_312, %ge3A_314 : vector<16xi32>
    %jit3A_316 = arith.constant 0 : i32
    %broadcast_in_dim3A_317 = vector.broadcast %jit3A_316 : i32 to vector<16xi32>
    %select_n3A_318 = arith.select %ge3A_315, %get3A_312, %broadcast_in_dim3A_317 : vector<16xi1>, vector<16xi32>
    tpu.vector_store_idx %arg5[%select_n3A_318], %broadcast_in_dim3A_130 masked %ge3A_315 : memref<1024xi32, #tpu.memory_space<vmem>>[vector<16xi32>], vector<16xi32>, vector<16xi1>
    %get3A_319 = arith.constant 384 : index
    %get3A_320 = tpu.vector_load %arg4[%get3A_319] {strides = array<i32>} : memref<944xi32, #tpu.memory_space<vmem>>, vector<16xi32>,
    %ge3A_321 = arith.constant 0 : i32
    %ge3A_322 = vector.broadcast %ge3A_321 : i32 to vector<16xi32>
    %ge3A_323 = arith.cmpi sge, %get3A_320, %ge3A_322 : vector<16xi32>
    %jit3A_324 = arith.constant 0 : i32
    %broadcast_in_dim3A_325 = vector.broadcast %jit3A_324 : i32 to vector<16xi32>
    %select_n3A_326 = arith.select %ge3A_323, %get3A_320, %broadcast_in_dim3A_325 : vector<16xi1>, vector<16xi32>
    tpu.vector_store_idx %arg5[%select_n3A_326], %broadcast_in_dim3A_130 masked %ge3A_323 : memref<1024xi32, #tpu.memory_space<vmem>>[vector<16xi32>], vector<16xi32>, vector<16xi1>
    %get3A_327 = arith.constant 400 : index
    %get3A_328 = tpu.vector_load %arg4[%get3A_327] {strides = array<i32>} : memref<944xi32, #tpu.memory_space<vmem>>, vector<16xi32>,
    %ge3A_329 = arith.constant 0 : i32
    %ge3A_330 = vector.broadcast %ge3A_329 : i32 to vector<16xi32>
    %ge3A_331 = arith.cmpi sge, %get3A_328, %ge3A_330 : vector<16xi32>
    %jit3A_332 = arith.constant 0 : i32
    %broadcast_in_dim3A_333 = vector.broadcast %jit3A_332 : i32 to vector<16xi32>
    %select_n3A_334 = arith.select %ge3A_331, %get3A_328, %broadcast_in_dim3A_333 : vector<16xi1>, vector<16xi32>
    tpu.vector_store_idx %arg5[%select_n3A_334], %broadcast_in_dim3A_130 masked %ge3A_331 : memref<1024xi32, #tpu.memory_space<vmem>>[vector<16xi32>], vector<16xi32>, vector<16xi1>
    %get3A_335 = arith.constant 416 : index
    %get3A_336 = tpu.vector_load %arg4[%get3A_335] {strides = array<i32>} : memref<944xi32, #tpu.memory_space<vmem>>, vector<16xi32>,
    %ge3A_337 = arith.constant 0 : i32
    %ge3A_338 = vector.broadcast %ge3A_337 : i32 to vector<16xi32>
    %ge3A_339 = arith.cmpi sge, %get3A_336, %ge3A_338 : vector<16xi32>
    %jit3A_340 = arith.constant 0 : i32
    %broadcast_in_dim3A_341 = vector.broadcast %jit3A_340 : i32 to vector<16xi32>
    %select_n3A_342 = arith.select %ge3A_339, %get3A_336, %broadcast_in_dim3A_341 : vector<16xi1>, vector<16xi32>
    tpu.vector_store_idx %arg5[%select_n3A_342], %broadcast_in_dim3A_130 masked %ge3A_339 : memref<1024xi32, #tpu.memory_space<vmem>>[vector<16xi32>], vector<16xi32>, vector<16xi1>
    %get3A_343 = arith.constant 432 : index
    %get3A_344 = tpu.vector_load %arg4[%get3A_343] {strides = array<i32>} : memref<944xi32, #tpu.memory_space<vmem>>, vector<16xi32>,
    %ge3A_345 = arith.constant 0 : i32
    %ge3A_346 = vector.broadcast %ge3A_345 : i32 to vector<16xi32>
    %ge3A_347 = arith.cmpi sge, %get3A_344, %ge3A_346 : vector<16xi32>
    %jit3A_348 = arith.constant 0 : i32
    %broadcast_in_dim3A_349 = vector.broadcast %jit3A_348 : i32 to vector<16xi32>
    %select_n3A_350 = arith.select %ge3A_347, %get3A_344, %broadcast_in_dim3A_349 : vector<16xi1>, vector<16xi32>
    tpu.vector_store_idx %arg5[%select_n3A_350], %broadcast_in_dim3A_130 masked %ge3A_347 : memref<1024xi32, #tpu.memory_space<vmem>>[vector<16xi32>], vector<16xi32>, vector<16xi1>
    %get3A_351 = arith.constant 448 : index
    %get3A_352 = tpu.vector_load %arg4[%get3A_351] {strides = array<i32>} : memref<944xi32, #tpu.memory_space<vmem>>, vector<16xi32>,
    %ge3A_353 = arith.constant 0 : i32
    %ge3A_354 = vector.broadcast %ge3A_353 : i32 to vector<16xi32>
    %ge3A_355 = arith.cmpi sge, %get3A_352, %ge3A_354 : vector<16xi32>
    %jit3A_356 = arith.constant 0 : i32
    %broadcast_in_dim3A_357 = vector.broadcast %jit3A_356 : i32 to vector<16xi32>
    %select_n3A_358 = arith.select %ge3A_355, %get3A_352, %broadcast_in_dim3A_357 : vector<16xi1>, vector<16xi32>
    tpu.vector_store_idx %arg5[%select_n3A_358], %broadcast_in_dim3A_130 masked %ge3A_355 : memref<1024xi32, #tpu.memory_space<vmem>>[vector<16xi32>], vector<16xi32>, vector<16xi1>
    %get3A_359 = arith.constant 464 : index
    %get3A_360 = tpu.vector_load %arg4[%get3A_359] {strides = array<i32>} : memref<944xi32, #tpu.memory_space<vmem>>, vector<16xi32>,
    %ge3A_361 = arith.constant 0 : i32
    %ge3A_362 = vector.broadcast %ge3A_361 : i32 to vector<16xi32>
    %ge3A_363 = arith.cmpi sge, %get3A_360, %ge3A_362 : vector<16xi32>
    %jit3A_364 = arith.constant 0 : i32
    %broadcast_in_dim3A_365 = vector.broadcast %jit3A_364 : i32 to vector<16xi32>
    %select_n3A_366 = arith.select %ge3A_363, %get3A_360, %broadcast_in_dim3A_365 : vector<16xi1>, vector<16xi32>
    tpu.vector_store_idx %arg5[%select_n3A_366], %broadcast_in_dim3A_130 masked %ge3A_363 : memref<1024xi32, #tpu.memory_space<vmem>>[vector<16xi32>], vector<16xi32>, vector<16xi1>
    %get3A_367 = arith.constant 480 : index
    %get3A_368 = tpu.vector_load %arg4[%get3A_367] {strides = array<i32>} : memref<944xi32, #tpu.memory_space<vmem>>, vector<16xi32>,
    %ge3A_369 = arith.constant 0 : i32
    %ge3A_370 = vector.broadcast %ge3A_369 : i32 to vector<16xi32>
    %ge3A_371 = arith.cmpi sge, %get3A_368, %ge3A_370 : vector<16xi32>
    %jit3A_372 = arith.constant 0 : i32
    %broadcast_in_dim3A_373 = vector.broadcast %jit3A_372 : i32 to vector<16xi32>
    %select_n3A_374 = arith.select %ge3A_371, %get3A_368, %broadcast_in_dim3A_373 : vector<16xi1>, vector<16xi32>
    tpu.vector_store_idx %arg5[%select_n3A_374], %broadcast_in_dim3A_130 masked %ge3A_371 : memref<1024xi32, #tpu.memory_space<vmem>>[vector<16xi32>], vector<16xi32>, vector<16xi1>
    %get3A_375 = arith.constant 496 : index
    %get3A_376 = tpu.vector_load %arg4[%get3A_375] {strides = array<i32>} : memref<944xi32, #tpu.memory_space<vmem>>, vector<16xi32>,
    %ge3A_377 = arith.constant 0 : i32
    %ge3A_378 = vector.broadcast %ge3A_377 : i32 to vector<16xi32>
    %ge3A_379 = arith.cmpi sge, %get3A_376, %ge3A_378 : vector<16xi32>
    %jit3A_380 = arith.constant 0 : i32
    %broadcast_in_dim3A_381 = vector.broadcast %jit3A_380 : i32 to vector<16xi32>
    %select_n3A_382 = arith.select %ge3A_379, %get3A_376, %broadcast_in_dim3A_381 : vector<16xi1>, vector<16xi32>
    tpu.vector_store_idx %arg5[%select_n3A_382], %broadcast_in_dim3A_130 masked %ge3A_379 : memref<1024xi32, #tpu.memory_space<vmem>>[vector<16xi32>], vector<16xi32>, vector<16xi1>
    %get3A_383 = arith.constant 512 : index
    %get3A_384 = tpu.vector_load %arg4[%get3A_383] {strides = array<i32>} : memref<944xi32, #tpu.memory_space<vmem>>, vector<16xi32>,
    %ge3A_385 = arith.constant 0 : i32
    %ge3A_386 = vector.broadcast %ge3A_385 : i32 to vector<16xi32>
    %ge3A_387 = arith.cmpi sge, %get3A_384, %ge3A_386 : vector<16xi32>
    %jit3A_388 = arith.constant 0 : i32
    %broadcast_in_dim3A_389 = vector.broadcast %jit3A_388 : i32 to vector<16xi32>
    %select_n3A_390 = arith.select %ge3A_387, %get3A_384, %broadcast_in_dim3A_389 : vector<16xi1>, vector<16xi32>
    tpu.vector_store_idx %arg5[%select_n3A_390], %broadcast_in_dim3A_130 masked %ge3A_387 : memref<1024xi32, #tpu.memory_space<vmem>>[vector<16xi32>], vector<16xi32>, vector<16xi1>
    %get3A_391 = arith.constant 528 : index
    %get3A_392 = tpu.vector_load %arg4[%get3A_391] {strides = array<i32>} : memref<944xi32, #tpu.memory_space<vmem>>, vector<16xi32>,
    %ge3A_393 = arith.constant 0 : i32
    %ge3A_394 = vector.broadcast %ge3A_393 : i32 to vector<16xi32>
    %ge3A_395 = arith.cmpi sge, %get3A_392, %ge3A_394 : vector<16xi32>
    %jit3A_396 = arith.constant 0 : i32
    %broadcast_in_dim3A_397 = vector.broadcast %jit3A_396 : i32 to vector<16xi32>
    %select_n3A_398 = arith.select %ge3A_395, %get3A_392, %broadcast_in_dim3A_397 : vector<16xi1>, vector<16xi32>
    tpu.vector_store_idx %arg5[%select_n3A_398], %broadcast_in_dim3A_130 masked %ge3A_395 : memref<1024xi32, #tpu.memory_space<vmem>>[vector<16xi32>], vector<16xi32>, vector<16xi1>
    %get3A_399 = arith.constant 544 : index
    %get3A_400 = tpu.vector_load %arg4[%get3A_399] {strides = array<i32>} : memref<944xi32, #tpu.memory_space<vmem>>, vector<16xi32>,
    %ge3A_401 = arith.constant 0 : i32
    %ge3A_402 = vector.broadcast %ge3A_401 : i32 to vector<16xi32>
    %ge3A_403 = arith.cmpi sge, %get3A_400, %ge3A_402 : vector<16xi32>
    %jit3A_404 = arith.constant 0 : i32
    %broadcast_in_dim3A_405 = vector.broadcast %jit3A_404 : i32 to vector<16xi32>
    %select_n3A_406 = arith.select %ge3A_403, %get3A_400, %broadcast_in_dim3A_405 : vector<16xi1>, vector<16xi32>
    tpu.vector_store_idx %arg5[%select_n3A_406], %broadcast_in_dim3A_130 masked %ge3A_403 : memref<1024xi32, #tpu.memory_space<vmem>>[vector<16xi32>], vector<16xi32>, vector<16xi1>
    %get3A_407 = arith.constant 560 : index
    %get3A_408 = tpu.vector_load %arg4[%get3A_407] {strides = array<i32>} : memref<944xi32, #tpu.memory_space<vmem>>, vector<16xi32>,
    %ge3A_409 = arith.constant 0 : i32
    %ge3A_410 = vector.broadcast %ge3A_409 : i32 to vector<16xi32>
    %ge3A_411 = arith.cmpi sge, %get3A_408, %ge3A_410 : vector<16xi32>
    %jit3A_412 = arith.constant 0 : i32
    %broadcast_in_dim3A_413 = vector.broadcast %jit3A_412 : i32 to vector<16xi32>
    %select_n3A_414 = arith.select %ge3A_411, %get3A_408, %broadcast_in_dim3A_413 : vector<16xi1>, vector<16xi32>
    tpu.vector_store_idx %arg5[%select_n3A_414], %broadcast_in_dim3A_130 masked %ge3A_411 : memref<1024xi32, #tpu.memory_space<vmem>>[vector<16xi32>], vector<16xi32>, vector<16xi1>
    %get3A_415 = arith.constant 576 : index
    %get3A_416 = tpu.vector_load %arg4[%get3A_415] {strides = array<i32>} : memref<944xi32, #tpu.memory_space<vmem>>, vector<16xi32>,
    %ge3A_417 = arith.constant 0 : i32
    %ge3A_418 = vector.broadcast %ge3A_417 : i32 to vector<16xi32>
    %ge3A_419 = arith.cmpi sge, %get3A_416, %ge3A_418 : vector<16xi32>
    %jit3A_420 = arith.constant 0 : i32
    %broadcast_in_dim3A_421 = vector.broadcast %jit3A_420 : i32 to vector<16xi32>
    %select_n3A_422 = arith.select %ge3A_419, %get3A_416, %broadcast_in_dim3A_421 : vector<16xi1>, vector<16xi32>
    tpu.vector_store_idx %arg5[%select_n3A_422], %broadcast_in_dim3A_130 masked %ge3A_419 : memref<1024xi32, #tpu.memory_space<vmem>>[vector<16xi32>], vector<16xi32>, vector<16xi1>
    %get3A_423 = arith.constant 592 : index
    %get3A_424 = tpu.vector_load %arg4[%get3A_423] {strides = array<i32>} : memref<944xi32, #tpu.memory_space<vmem>>, vector<16xi32>,
    %ge3A_425 = arith.constant 0 : i32
    %ge3A_426 = vector.broadcast %ge3A_425 : i32 to vector<16xi32>
    %ge3A_427 = arith.cmpi sge, %get3A_424, %ge3A_426 : vector<16xi32>
    %jit3A_428 = arith.constant 0 : i32
    %broadcast_in_dim3A_429 = vector.broadcast %jit3A_428 : i32 to vector<16xi32>
    %select_n3A_430 = arith.select %ge3A_427, %get3A_424, %broadcast_in_dim3A_429 : vector<16xi1>, vector<16xi32>
    tpu.vector_store_idx %arg5[%select_n3A_430], %broadcast_in_dim3A_130 masked %ge3A_427 : memref<1024xi32, #tpu.memory_space<vmem>>[vector<16xi32>], vector<16xi32>, vector<16xi1>
    %get3A_431 = arith.constant 608 : index
    %get3A_432 = tpu.vector_load %arg4[%get3A_431] {strides = array<i32>} : memref<944xi32, #tpu.memory_space<vmem>>, vector<16xi32>,
    %ge3A_433 = arith.constant 0 : i32
    %ge3A_434 = vector.broadcast %ge3A_433 : i32 to vector<16xi32>
    %ge3A_435 = arith.cmpi sge, %get3A_432, %ge3A_434 : vector<16xi32>
    %jit3A_436 = arith.constant 0 : i32
    %broadcast_in_dim3A_437 = vector.broadcast %jit3A_436 : i32 to vector<16xi32>
    %select_n3A_438 = arith.select %ge3A_435, %get3A_432, %broadcast_in_dim3A_437 : vector<16xi1>, vector<16xi32>
    tpu.vector_store_idx %arg5[%select_n3A_438], %broadcast_in_dim3A_130 masked %ge3A_435 : memref<1024xi32, #tpu.memory_space<vmem>>[vector<16xi32>], vector<16xi32>, vector<16xi1>
    %get3A_439 = arith.constant 624 : index
    %get3A_440 = tpu.vector_load %arg4[%get3A_439] {strides = array<i32>} : memref<944xi32, #tpu.memory_space<vmem>>, vector<16xi32>,
    %ge3A_441 = arith.constant 0 : i32
    %ge3A_442 = vector.broadcast %ge3A_441 : i32 to vector<16xi32>
    %ge3A_443 = arith.cmpi sge, %get3A_440, %ge3A_442 : vector<16xi32>
    %jit3A_444 = arith.constant 0 : i32
    %broadcast_in_dim3A_445 = vector.broadcast %jit3A_444 : i32 to vector<16xi32>
    %select_n3A_446 = arith.select %ge3A_443, %get3A_440, %broadcast_in_dim3A_445 : vector<16xi1>, vector<16xi32>
    tpu.vector_store_idx %arg5[%select_n3A_446], %broadcast_in_dim3A_130 masked %ge3A_443 : memref<1024xi32, #tpu.memory_space<vmem>>[vector<16xi32>], vector<16xi32>, vector<16xi1>
    %get3A_447 = arith.constant 640 : index
    %get3A_448 = tpu.vector_load %arg4[%get3A_447] {strides = array<i32>} : memref<944xi32, #tpu.memory_space<vmem>>, vector<16xi32>,
    %ge3A_449 = arith.constant 0 : i32
    %ge3A_450 = vector.broadcast %ge3A_449 : i32 to vector<16xi32>
    %ge3A_451 = arith.cmpi sge, %get3A_448, %ge3A_450 : vector<16xi32>
    %jit3A_452 = arith.constant 0 : i32
    %broadcast_in_dim3A_453 = vector.broadcast %jit3A_452 : i32 to vector<16xi32>
    %select_n3A_454 = arith.select %ge3A_451, %get3A_448, %broadcast_in_dim3A_453 : vector<16xi1>, vector<16xi32>
    tpu.vector_store_idx %arg5[%select_n3A_454], %broadcast_in_dim3A_130 masked %ge3A_451 : memref<1024xi32, #tpu.memory_space<vmem>>[vector<16xi32>], vector<16xi32>, vector<16xi1>
    %get3A_455 = arith.constant 656 : index
    %get3A_456 = tpu.vector_load %arg4[%get3A_455] {strides = array<i32>} : memref<944xi32, #tpu.memory_space<vmem>>, vector<16xi32>,
    %ge3A_457 = arith.constant 0 : i32
    %ge3A_458 = vector.broadcast %ge3A_457 : i32 to vector<16xi32>
    %ge3A_459 = arith.cmpi sge, %get3A_456, %ge3A_458 : vector<16xi32>
    %jit3A_460 = arith.constant 0 : i32
    %broadcast_in_dim3A_461 = vector.broadcast %jit3A_460 : i32 to vector<16xi32>
    %select_n3A_462 = arith.select %ge3A_459, %get3A_456, %broadcast_in_dim3A_461 : vector<16xi1>, vector<16xi32>
    tpu.vector_store_idx %arg5[%select_n3A_462], %broadcast_in_dim3A_130 masked %ge3A_459 : memref<1024xi32, #tpu.memory_space<vmem>>[vector<16xi32>], vector<16xi32>, vector<16xi1>
    %get3A_463 = arith.constant 672 : index
    %get3A_464 = tpu.vector_load %arg4[%get3A_463] {strides = array<i32>} : memref<944xi32, #tpu.memory_space<vmem>>, vector<16xi32>,
    %ge3A_465 = arith.constant 0 : i32
    %ge3A_466 = vector.broadcast %ge3A_465 : i32 to vector<16xi32>
    %ge3A_467 = arith.cmpi sge, %get3A_464, %ge3A_466 : vector<16xi32>
    %jit3A_468 = arith.constant 0 : i32
    %broadcast_in_dim3A_469 = vector.broadcast %jit3A_468 : i32 to vector<16xi32>
    %select_n3A_470 = arith.select %ge3A_467, %get3A_464, %broadcast_in_dim3A_469 : vector<16xi1>, vector<16xi32>
    tpu.vector_store_idx %arg5[%select_n3A_470], %broadcast_in_dim3A_130 masked %ge3A_467 : memref<1024xi32, #tpu.memory_space<vmem>>[vector<16xi32>], vector<16xi32>, vector<16xi1>
    %get3A_471 = arith.constant 688 : index
    %get3A_472 = tpu.vector_load %arg4[%get3A_471] {strides = array<i32>} : memref<944xi32, #tpu.memory_space<vmem>>, vector<16xi32>,
    %ge3A_473 = arith.constant 0 : i32
    %ge3A_474 = vector.broadcast %ge3A_473 : i32 to vector<16xi32>
    %ge3A_475 = arith.cmpi sge, %get3A_472, %ge3A_474 : vector<16xi32>
    %jit3A_476 = arith.constant 0 : i32
    %broadcast_in_dim3A_477 = vector.broadcast %jit3A_476 : i32 to vector<16xi32>
    %select_n3A_478 = arith.select %ge3A_475, %get3A_472, %broadcast_in_dim3A_477 : vector<16xi1>, vector<16xi32>
    tpu.vector_store_idx %arg5[%select_n3A_478], %broadcast_in_dim3A_130 masked %ge3A_475 : memref<1024xi32, #tpu.memory_space<vmem>>[vector<16xi32>], vector<16xi32>, vector<16xi1>
    %get3A_479 = arith.constant 704 : index
    %get3A_480 = tpu.vector_load %arg4[%get3A_479] {strides = array<i32>} : memref<944xi32, #tpu.memory_space<vmem>>, vector<16xi32>,
    %ge3A_481 = arith.constant 0 : i32
    %ge3A_482 = vector.broadcast %ge3A_481 : i32 to vector<16xi32>
    %ge3A_483 = arith.cmpi sge, %get3A_480, %ge3A_482 : vector<16xi32>
    %jit3A_484 = arith.constant 0 : i32
    %broadcast_in_dim3A_485 = vector.broadcast %jit3A_484 : i32 to vector<16xi32>
    %select_n3A_486 = arith.select %ge3A_483, %get3A_480, %broadcast_in_dim3A_485 : vector<16xi1>, vector<16xi32>
    tpu.vector_store_idx %arg5[%select_n3A_486], %broadcast_in_dim3A_130 masked %ge3A_483 : memref<1024xi32, #tpu.memory_space<vmem>>[vector<16xi32>], vector<16xi32>, vector<16xi1>
    %get3A_487 = arith.constant 720 : index
    %get3A_488 = tpu.vector_load %arg4[%get3A_487] {strides = array<i32>} : memref<944xi32, #tpu.memory_space<vmem>>, vector<16xi32>,
    %ge3A_489 = arith.constant 0 : i32
    %ge3A_490 = vector.broadcast %ge3A_489 : i32 to vector<16xi32>
    %ge3A_491 = arith.cmpi sge, %get3A_488, %ge3A_490 : vector<16xi32>
    %jit3A_492 = arith.constant 0 : i32
    %broadcast_in_dim3A_493 = vector.broadcast %jit3A_492 : i32 to vector<16xi32>
    %select_n3A_494 = arith.select %ge3A_491, %get3A_488, %broadcast_in_dim3A_493 : vector<16xi1>, vector<16xi32>
    tpu.vector_store_idx %arg5[%select_n3A_494], %broadcast_in_dim3A_130 masked %ge3A_491 : memref<1024xi32, #tpu.memory_space<vmem>>[vector<16xi32>], vector<16xi32>, vector<16xi1>
    %get3A_495 = arith.constant 736 : index
    %get3A_496 = tpu.vector_load %arg4[%get3A_495] {strides = array<i32>} : memref<944xi32, #tpu.memory_space<vmem>>, vector<16xi32>,
    %ge3A_497 = arith.constant 0 : i32
    %ge3A_498 = vector.broadcast %ge3A_497 : i32 to vector<16xi32>
    %ge3A_499 = arith.cmpi sge, %get3A_496, %ge3A_498 : vector<16xi32>
    %jit3A_500 = arith.constant 0 : i32
    %broadcast_in_dim3A_501 = vector.broadcast %jit3A_500 : i32 to vector<16xi32>
    %select_n3A_502 = arith.select %ge3A_499, %get3A_496, %broadcast_in_dim3A_501 : vector<16xi1>, vector<16xi32>
    tpu.vector_store_idx %arg5[%select_n3A_502], %broadcast_in_dim3A_130 masked %ge3A_499 : memref<1024xi32, #tpu.memory_space<vmem>>[vector<16xi32>], vector<16xi32>, vector<16xi1>
    %get3A_503 = arith.constant 752 : index
    %get3A_504 = tpu.vector_load %arg4[%get3A_503] {strides = array<i32>} : memref<944xi32, #tpu.memory_space<vmem>>, vector<16xi32>,
    %ge3A_505 = arith.constant 0 : i32
    %ge3A_506 = vector.broadcast %ge3A_505 : i32 to vector<16xi32>
    %ge3A_507 = arith.cmpi sge, %get3A_504, %ge3A_506 : vector<16xi32>
    %jit3A_508 = arith.constant 0 : i32
    %broadcast_in_dim3A_509 = vector.broadcast %jit3A_508 : i32 to vector<16xi32>
    %select_n3A_510 = arith.select %ge3A_507, %get3A_504, %broadcast_in_dim3A_509 : vector<16xi1>, vector<16xi32>
    tpu.vector_store_idx %arg5[%select_n3A_510], %broadcast_in_dim3A_130 masked %ge3A_507 : memref<1024xi32, #tpu.memory_space<vmem>>[vector<16xi32>], vector<16xi32>, vector<16xi1>
    %get3A_511 = arith.constant 768 : index
    %get3A_512 = tpu.vector_load %arg4[%get3A_511] {strides = array<i32>} : memref<944xi32, #tpu.memory_space<vmem>>, vector<16xi32>,
    %ge3A_513 = arith.constant 0 : i32
    %ge3A_514 = vector.broadcast %ge3A_513 : i32 to vector<16xi32>
    %ge3A_515 = arith.cmpi sge, %get3A_512, %ge3A_514 : vector<16xi32>
    %jit3A_516 = arith.constant 0 : i32
    %broadcast_in_dim3A_517 = vector.broadcast %jit3A_516 : i32 to vector<16xi32>
    %select_n3A_518 = arith.select %ge3A_515, %get3A_512, %broadcast_in_dim3A_517 : vector<16xi1>, vector<16xi32>
    tpu.vector_store_idx %arg5[%select_n3A_518], %broadcast_in_dim3A_130 masked %ge3A_515 : memref<1024xi32, #tpu.memory_space<vmem>>[vector<16xi32>], vector<16xi32>, vector<16xi1>
    %get3A_519 = arith.constant 784 : index
    %get3A_520 = tpu.vector_load %arg4[%get3A_519] {strides = array<i32>} : memref<944xi32, #tpu.memory_space<vmem>>, vector<16xi32>,
    %ge3A_521 = arith.constant 0 : i32
    %ge3A_522 = vector.broadcast %ge3A_521 : i32 to vector<16xi32>
    %ge3A_523 = arith.cmpi sge, %get3A_520, %ge3A_522 : vector<16xi32>
    %jit3A_524 = arith.constant 0 : i32
    %broadcast_in_dim3A_525 = vector.broadcast %jit3A_524 : i32 to vector<16xi32>
    %select_n3A_526 = arith.select %ge3A_523, %get3A_520, %broadcast_in_dim3A_525 : vector<16xi1>, vector<16xi32>
    tpu.vector_store_idx %arg5[%select_n3A_526], %broadcast_in_dim3A_130 masked %ge3A_523 : memref<1024xi32, #tpu.memory_space<vmem>>[vector<16xi32>], vector<16xi32>, vector<16xi1>
    %get3A_527 = arith.constant 800 : index
    %get3A_528 = tpu.vector_load %arg4[%get3A_527] {strides = array<i32>} : memref<944xi32, #tpu.memory_space<vmem>>, vector<16xi32>,
    %ge3A_529 = arith.constant 0 : i32
    %ge3A_530 = vector.broadcast %ge3A_529 : i32 to vector<16xi32>
    %ge3A_531 = arith.cmpi sge, %get3A_528, %ge3A_530 : vector<16xi32>
    %jit3A_532 = arith.constant 0 : i32
    %broadcast_in_dim3A_533 = vector.broadcast %jit3A_532 : i32 to vector<16xi32>
    %select_n3A_534 = arith.select %ge3A_531, %get3A_528, %broadcast_in_dim3A_533 : vector<16xi1>, vector<16xi32>
    tpu.vector_store_idx %arg5[%select_n3A_534], %broadcast_in_dim3A_130 masked %ge3A_531 : memref<1024xi32, #tpu.memory_space<vmem>>[vector<16xi32>], vector<16xi32>, vector<16xi1>
    %get3A_535 = arith.constant 816 : index
    %get3A_536 = tpu.vector_load %arg4[%get3A_535] {strides = array<i32>} : memref<944xi32, #tpu.memory_space<vmem>>, vector<16xi32>,
    %ge3A_537 = arith.constant 0 : i32
    %ge3A_538 = vector.broadcast %ge3A_537 : i32 to vector<16xi32>
    %ge3A_539 = arith.cmpi sge, %get3A_536, %ge3A_538 : vector<16xi32>
    %jit3A_540 = arith.constant 0 : i32
    %broadcast_in_dim3A_541 = vector.broadcast %jit3A_540 : i32 to vector<16xi32>
    %select_n3A_542 = arith.select %ge3A_539, %get3A_536, %broadcast_in_dim3A_541 : vector<16xi1>, vector<16xi32>
    tpu.vector_store_idx %arg5[%select_n3A_542], %broadcast_in_dim3A_130 masked %ge3A_539 : memref<1024xi32, #tpu.memory_space<vmem>>[vector<16xi32>], vector<16xi32>, vector<16xi1>
    %get3A_543 = arith.constant 832 : index
    %get3A_544 = tpu.vector_load %arg4[%get3A_543] {strides = array<i32>} : memref<944xi32, #tpu.memory_space<vmem>>, vector<16xi32>,
    %ge3A_545 = arith.constant 0 : i32
    %ge3A_546 = vector.broadcast %ge3A_545 : i32 to vector<16xi32>
    %ge3A_547 = arith.cmpi sge, %get3A_544, %ge3A_546 : vector<16xi32>
    %jit3A_548 = arith.constant 0 : i32
    %broadcast_in_dim3A_549 = vector.broadcast %jit3A_548 : i32 to vector<16xi32>
    %select_n3A_550 = arith.select %ge3A_547, %get3A_544, %broadcast_in_dim3A_549 : vector<16xi1>, vector<16xi32>
    tpu.vector_store_idx %arg5[%select_n3A_550], %broadcast_in_dim3A_130 masked %ge3A_547 : memref<1024xi32, #tpu.memory_space<vmem>>[vector<16xi32>], vector<16xi32>, vector<16xi1>
    %get3A_551 = arith.constant 848 : index
    %get3A_552 = tpu.vector_load %arg4[%get3A_551] {strides = array<i32>} : memref<944xi32, #tpu.memory_space<vmem>>, vector<16xi32>,
    %ge3A_553 = arith.constant 0 : i32
    %ge3A_554 = vector.broadcast %ge3A_553 : i32 to vector<16xi32>
    %ge3A_555 = arith.cmpi sge, %get3A_552, %ge3A_554 : vector<16xi32>
    %jit3A_556 = arith.constant 0 : i32
    %broadcast_in_dim3A_557 = vector.broadcast %jit3A_556 : i32 to vector<16xi32>
    %select_n3A_558 = arith.select %ge3A_555, %get3A_552, %broadcast_in_dim3A_557 : vector<16xi1>, vector<16xi32>
    tpu.vector_store_idx %arg5[%select_n3A_558], %broadcast_in_dim3A_130 masked %ge3A_555 : memref<1024xi32, #tpu.memory_space<vmem>>[vector<16xi32>], vector<16xi32>, vector<16xi1>
    %get3A_559 = arith.constant 864 : index
    %get3A_560 = tpu.vector_load %arg4[%get3A_559] {strides = array<i32>} : memref<944xi32, #tpu.memory_space<vmem>>, vector<16xi32>,
    %ge3A_561 = arith.constant 0 : i32
    %ge3A_562 = vector.broadcast %ge3A_561 : i32 to vector<16xi32>
    %ge3A_563 = arith.cmpi sge, %get3A_560, %ge3A_562 : vector<16xi32>
    %jit3A_564 = arith.constant 0 : i32
    %broadcast_in_dim3A_565 = vector.broadcast %jit3A_564 : i32 to vector<16xi32>
    %select_n3A_566 = arith.select %ge3A_563, %get3A_560, %broadcast_in_dim3A_565 : vector<16xi1>, vector<16xi32>
    tpu.vector_store_idx %arg5[%select_n3A_566], %broadcast_in_dim3A_130 masked %ge3A_563 : memref<1024xi32, #tpu.memory_space<vmem>>[vector<16xi32>], vector<16xi32>, vector<16xi1>
    %get3A_567 = arith.constant 880 : index
    %get3A_568 = tpu.vector_load %arg4[%get3A_567] {strides = array<i32>} : memref<944xi32, #tpu.memory_space<vmem>>, vector<16xi32>,
    %ge3A_569 = arith.constant 0 : i32
    %ge3A_570 = vector.broadcast %ge3A_569 : i32 to vector<16xi32>
    %ge3A_571 = arith.cmpi sge, %get3A_568, %ge3A_570 : vector<16xi32>
    %jit3A_572 = arith.constant 0 : i32
    %broadcast_in_dim3A_573 = vector.broadcast %jit3A_572 : i32 to vector<16xi32>
    %select_n3A_574 = arith.select %ge3A_571, %get3A_568, %broadcast_in_dim3A_573 : vector<16xi1>, vector<16xi32>
    tpu.vector_store_idx %arg5[%select_n3A_574], %broadcast_in_dim3A_130 masked %ge3A_571 : memref<1024xi32, #tpu.memory_space<vmem>>[vector<16xi32>], vector<16xi32>, vector<16xi1>
    %get3A_575 = arith.constant 896 : index
    %get3A_576 = tpu.vector_load %arg4[%get3A_575] {strides = array<i32>} : memref<944xi32, #tpu.memory_space<vmem>>, vector<16xi32>,
    %ge3A_577 = arith.constant 0 : i32
    %ge3A_578 = vector.broadcast %ge3A_577 : i32 to vector<16xi32>
    %ge3A_579 = arith.cmpi sge, %get3A_576, %ge3A_578 : vector<16xi32>
    %jit3A_580 = arith.constant 0 : i32
    %broadcast_in_dim3A_581 = vector.broadcast %jit3A_580 : i32 to vector<16xi32>
    %select_n3A_582 = arith.select %ge3A_579, %get3A_576, %broadcast_in_dim3A_581 : vector<16xi1>, vector<16xi32>
    tpu.vector_store_idx %arg5[%select_n3A_582], %broadcast_in_dim3A_130 masked %ge3A_579 : memref<1024xi32, #tpu.memory_space<vmem>>[vector<16xi32>], vector<16xi32>, vector<16xi1>
    %get3A_583 = arith.constant 912 : index
    %get3A_584 = tpu.vector_load %arg4[%get3A_583] {strides = array<i32>} : memref<944xi32, #tpu.memory_space<vmem>>, vector<16xi32>,
    %ge3A_585 = arith.constant 0 : i32
    %ge3A_586 = vector.broadcast %ge3A_585 : i32 to vector<16xi32>
    %ge3A_587 = arith.cmpi sge, %get3A_584, %ge3A_586 : vector<16xi32>
    %jit3A_588 = arith.constant 0 : i32
    %broadcast_in_dim3A_589 = vector.broadcast %jit3A_588 : i32 to vector<16xi32>
    %select_n3A_590 = arith.select %ge3A_587, %get3A_584, %broadcast_in_dim3A_589 : vector<16xi1>, vector<16xi32>
    tpu.vector_store_idx %arg5[%select_n3A_590], %broadcast_in_dim3A_130 masked %ge3A_587 : memref<1024xi32, #tpu.memory_space<vmem>>[vector<16xi32>], vector<16xi32>, vector<16xi1>
    %get3A_591 = arith.constant 928 : index
    %get3A_592 = tpu.vector_load %arg4[%get3A_591] {strides = array<i32>} : memref<944xi32, #tpu.memory_space<vmem>>, vector<16xi32>,
    %ge3A_593 = arith.constant 0 : i32
    %ge3A_594 = vector.broadcast %ge3A_593 : i32 to vector<16xi32>
    %ge3A_595 = arith.cmpi sge, %get3A_592, %ge3A_594 : vector<16xi32>
    %jit3A_596 = arith.constant 0 : i32
    %broadcast_in_dim3A_597 = vector.broadcast %jit3A_596 : i32 to vector<16xi32>
    %select_n3A_598 = arith.select %ge3A_595, %get3A_592, %broadcast_in_dim3A_597 : vector<16xi1>, vector<16xi32>
    tpu.vector_store_idx %arg5[%select_n3A_598], %broadcast_in_dim3A_130 masked %ge3A_595 : memref<1024xi32, #tpu.memory_space<vmem>>[vector<16xi32>], vector<16xi32>, vector<16xi1>
    %mul3A_599 = arith.constant 1024 : i32
    %mul3A_600 = arith.muli %add3A, %mul3A_599 : i32
    "tpu.region"() ({
      %run_scoped3A = tpu.sem_alloc : memref<!tpu.dma_semaphore, #tpu.memory_space<semaphore_mem>>
      %dma_start3A = tpu.memref_slice %arg3[%mul3A_600] : memref<16384xi32, #tpu.memory_space<hbm>> -> memref<1024xi32, #tpu.memory_space<hbm>>
      %dma_start3A_601 = tpu.memref_slice %arg3[%mul3A_600] : memref<16384xi32, #tpu.memory_space<hbm>> -> memref<1024xi32, #tpu.memory_space<hbm>>
      tpu.enqueue_dma source(%arg5 : memref<1024xi32, #tpu.memory_space<vmem>>) target(%dma_start3A_601 : memref<1024xi32, #tpu.memory_space<hbm>>) target_semaphore(%run_scoped3A : memref<!tpu.dma_semaphore, #tpu.memory_space<semaphore_mem>>)
      %dma_wait3A = tpu.memref_slice %arg3[%mul3A_600] : memref<16384xi32, #tpu.memory_space<hbm>> -> memref<1024xi32, #tpu.memory_space<hbm>>
      %dma_wait3A_602 = tpu.memref_slice %arg3[%mul3A_600] : memref<16384xi32, #tpu.memory_space<hbm>> -> memref<1024xi32, #tpu.memory_space<hbm>>
      tpu.wait_dma2 semaphore(%run_scoped3A : memref<!tpu.dma_semaphore, #tpu.memory_space<semaphore_mem>>) src(%arg5 : memref<1024xi32, #tpu.memory_space<vmem>>) dst(%dma_wait3A_602 : memref<1024xi32, #tpu.memory_space<hbm>>)
      tpu.yield
    }) : () -> ()
    return
  }
}

module attributes {stable_mosaic.version = 14 : i64} {
  func.func @_scale_body(%arg0: i32, %arg1: i32, %arg2: memref<1x512x4096xf32, #tpu.memory_space<vmem>>, %arg3: memref<1x1x512xf32, #tpu.memory_space<vmem>>, %arg4: memref<1x512x4096xf32, #tpu.memory_space<vmem>>) attributes {dimension_semantics = [#tpu.dimension_semantics<parallel>, #tpu.dimension_semantics<parallel>], iteration_bounds = array<i64: 4, 8>, scalar_prefetch = 0 : i64, scratch_operands = 0 : i64, tpu.core_type = #tpu.core_type<tc>, window_params = [{transform_indices = @transform_0, window_bounds = array<i64: 1, 512, 4096>}, {transform_indices = @transform_1, window_bounds = array<i64: 1, 1, 512>}, {transform_indices = @transform_2, window_bounds = array<i64: 1, 512, 4096>}]} {
    %get3A = arith.constant 0 : index
    %get3A_0 = arith.constant 0 : index
    %get3A_1 = arith.constant 0 : index
    %get3A_2 = vector.load %arg3[%get3A, %get3A_0, %get3A_1] : memref<1x1x512xf32, #tpu.memory_space<vmem>>, vector<1x1x512xf32>
    %get3A_3 = vector.shape_cast %get3A_2 : vector<1x1x512xf32> to vector<512xf32>
    %get3A_4 = arith.constant 0 : index
    %get3A_5 = arith.constant 0 : index
    %get3A_6 = arith.constant 0 : index
    %get3A_7 = vector.load %arg2[%get3A_4, %get3A_5, %get3A_6] : memref<1x512x4096xf32, #tpu.memory_space<vmem>>, vector<1x512x4096xf32>
    %broadcast_in_dim3A = vector.shape_cast %get3A_3 : vector<512xf32> to vector<1x512x1xf32>
    %mul3A = vector.broadcast %broadcast_in_dim3A : vector<1x512x1xf32> to vector<1x512x4096xf32>
    %mul3A_8 = arith.mulf %get3A_7, %mul3A : vector<1x512x4096xf32>
    %swap3A = arith.constant 0 : index
    %swap3A_9 = arith.constant 0 : index
    %swap3A_10 = arith.constant 0 : index
    %swap3A_11 = vector.load %arg4[%swap3A, %swap3A_9, %swap3A_10] : memref<1x512x4096xf32, #tpu.memory_space<vmem>>, vector<1x512x4096xf32>
    tpu.vector_store %arg4[%swap3A, %swap3A_9, %swap3A_10], %mul3A_8 {strides = array<i32>} : memref<1x512x4096xf32, #tpu.memory_space<vmem>>, vector<1x512x4096xf32>,
    return
  }
  func.func @transform_0(%arg0: i32, %arg1: i32) -> (i32, i32, i32) {
    %c0_i32 = arith.constant 0 : i32
    %c0_i32_0 = arith.constant 0 : i32
    return %arg0, %arg1, %c0_i32 : i32, i32, i32
  }
  func.func @transform_1(%arg0: i32, %arg1: i32) -> (i32, i32, i32) {
    %mul3A = arith.constant 8 : i32
    %mul3A_0 = arith.muli %arg0, %mul3A : i32
    %add3A = arith.addi %mul3A_0, %arg1 : i32
    %c0_i32 = arith.constant 0 : i32
    %c0_i32_1 = arith.constant 0 : i32
    %c0_i32_2 = arith.constant 0 : i32
    return %add3A, %c0_i32, %c0_i32_1 : i32, i32, i32
  }
  func.func @transform_2(%arg0: i32, %arg1: i32) -> (i32, i32, i32) {
    %c0_i32 = arith.constant 0 : i32
    %c0_i32_0 = arith.constant 0 : i32
    return %arg0, %arg1, %c0_i32 : i32, i32, i32
  }
}

</mosaic_0001>

<sc_bundles>
// kernel: kernel.4.cloned.1.call-start
scs
__scs_entry_jumppad:
0x0: {  	(pc) =	sbr.rel $0x88, $3  }
0x1: {  	(tag) =	ssettag $0x0;
	lr =	simm.s32 $0x1  }
0x2: {  	[smem:$0x3FA0] =	sst lr;
	_ =	strace $0xD0000000  }
0x3: {  	_ = 	snop  }
0x4: {  	_ = 	snop  }
0x5: {  	_ = 	snop  }
0x6: {  	_ = 	snop  }
0x7: {  	_ = 	snop  }
__scs_overlays_trampoline_lowered:
0x8: {  	[smem:$0x3FAF] =	sst s0  }
0x9: {  	[smem:$0x3FB0] =	sst s1  }
0xa: {  	[smem:$0x3FB1] =	sst s2  }
0xb: {  	[smem:$0x3FB2] =	sst s3  }
0xc: {  	[smem:$0x3FB3] =	sst s4  }
0xd: {  	[smem:$0x3FB4] =	sst s5  }
0xe: {  	[smem:$0x3FB5] =	sst s6  }
0xf: {  	[smem:$0x3FB6] =	sst s7  }
0x10: {  	[smem:$0x3FB7] =	sst s8  }
0x11: {  	[smem:$0x3FB8] =	sst s9;
	s0 =	simm.s32 @!p0 $0x0  }
0x12: {  	s1 =	sld [smem:$0x3F9E];
	s0 =	simm.s32 @p0 $0x1  }
0x13: {  	[smem:$0x3FB9] =	sst s0;
	s0 =	simm.s32 @!p1 $0x0  }
0x14: {  	s2 =	sld [smem:$0x3F9D];
	s0 =	simm.s32 @p1 $0x1  }
0x15: {  	[smem:$0x3FBA] =	sst s0;
	s0 =	simm.s32 @!p2 $0x0  }
0x16: {  	s3 =	sld [smem:$0x3FDB];
	s0 =	simm.s32 @p2 $0x1  }
0x17: {  	s4 =	simm.s32 $0x1BF5;
	[smem:$0x3FBC] =	sst s0  }
0x18: {  	s0 =	sld [smem:$0x3F9F];
	_ =	swait.ge [sflag:s4], $0x0  }
0x19: {  	s7 =	sld [smem:$0x3FA0]  }
0x1a: {  	s8 =	sadd.s32 $0xFFFFE003, lr  }
0x1b: {  	s9 =	sadd.s32 $0xFFFFFEF7, lr;
	s5 =	simm.s32 $0xFFFFFFFF;
	p2 =	slt.u32 s8, $0xFFFFF086  }
0x1c: {  	p1 =	slt.u32 s9, $0xF7A;
	s5 =	simm.s32 @!p2 $0x0  }
0x1d: {  	s5 =	simm.s32 @p1 $0x1;
	p0 =	seq.s32 s7, s2  }
0x1e: {  	s7 =	smul.u32 @!p0 $0xF7A, s2;
	p2 =	seq.s32 @!p0 s5, $0x0  }
0x1f: {  	s9 =	smul.u32 $0xF7A, s1;
	s8 =	simm.s32 @!p0 $0x1BF5;
	p2 =	por !p2, p0  }
0x20: {  	[sflag:s8] =	ssyncset.s32 @!p0 $0xFFFFF086;
	s6 =	sadd.s32 @!p0 s3, s7;
	s7 =	simm.s32 @!p0 $0x108  }
0x21: {  	s3 =	sadd.s32 s3, s9;
	s6 =	sadd.s32 @!p0 $0x88, s6;
	s7 =	simm.s32 @p2 $0x1082  }
0x22: {  	[simem:s7], [sflag:s8] =	dma.local @!p0 [hbm:s6], $0xF7A  }
0x23: {  	s9 =	sor.u32 $0xD0000000, s2;
	s6 =	simm.s32 $0x108;
	_ =	swait.ge @!p0 [sflag:s8], $0x0  }
0x24: {  	s3 =	sadd.s32 $0x88, s3;
	s6 =	simm.s32 @!p1 $0x1082;
	[sflag:s4] =	ssyncset.s32 $0xFFFFF086  }
0x25: {  	[simem:s6], [sflag:s4] =	dma.local [hbm:s3], $0xF7A  }
0x26: {  	[smem:$0x3FA0] =	sst s1;
	(tag) =	ssettag s2;
	_ =	strace s9  }
0x27: {  	s1 =	sld [smem:$0x3FB0]  }
0x28: {  	s2 =	sld [smem:$0x3FB1]  }
0x29: {  	s4 =	sld [smem:$0x3FB3]  }
0x2a: {  	p0 =	seq.s32 s5, $0x0;
	s5 =	sld [smem:$0x3FB4]  }
0x2b: {  	s6 =	sld [smem:$0x3FB5]  }
0x2c: {  	s7 =	sld [smem:$0x3FB6]  }
0x2d: {  	s3 =	simm.s32 $0x108;
	s8 =	sld [smem:$0x3FB7]  }
0x2e: {  	s3 =	simm.s32 @!p0 $0x1082;
	s9 =	sld [smem:$0x3FB8]  }
0x2f: {  	lr =	sadd.s32 s0, s3;
	s0 =	sld [smem:$0x3FAF]  }
0x30: {  	s3 =	sld [smem:$0x3FB2]  }
0x31: {  	[smem:$0x3FBB] =	sst s10  }
0x32: {  	s10 =	sld [smem:$0x3FB9];
	_ =	sdelay $0x3  }
0x33: {  	p0 =	seq.s32 s10, $0x1;
	s10 =	sld [smem:$0x3FBB];
	_ =	sdelay $0x3  }
0x34: {  	[smem:$0x3FBB] =	sst s10  }
0x35: {  	s10 =	sld [smem:$0x3FBA];
	_ =	sdelay $0x3  }
0x36: {  	p1 =	seq.s32 s10, $0x1;
	s10 =	sld [smem:$0x3FBB];
	_ =	sdelay $0x3  }
0x37: {  	[smem:$0x3FBB] =	sst s10  }
0x38: {  	s10 =	sld [smem:$0x3FBC]  }
0x39: {  	_ = 	snop;
	(pc) =	sbr.ind lr, $3  }
0x3a: {  	_ = 	snop  }
0x3b: {  	_ = 	snop  }
0x3c: {  	p2 =	seq.s32 s10, $0x1;
	s10 =	sld [smem:$0x3FBB]  }
0x3d: {  	_ =	shalt  }
0x3e: {  	_ =	shalt  }
0x3f: {  	_ =	shalt  }
0x40: {  	_ =	shalt  }
0x41: {  	_ =	shalt  }
0x42: {  	_ =	shalt  }
0x43: {  	_ =	shalt  }
0x44: {  	_ =	shalt  }
0x45: {  	_ =	shalt  }
0x46: {  	_ =	shalt  }
0x47: {  	_ =	shalt  }
0x48: {  	_ =	shalt  }
0x49: {  	_ =	shalt  }
0x4a: {  	_ =	shalt  }
0x4b: {  	_ =	shalt  }
0x4c: {  	_ =	shalt  }
0x4d: {  	_ =	shalt  }
0x4e: {  	_ =	shalt  }
0x4f: {  	_ =	shalt  }
0x50: {  	_ =	shalt  }
0x51: {  	_ =	shalt  }
0x52: {  	_ =	shalt  }
0x53: {  	_ =	shalt  }
0x54: {  	_ =	shalt  }
0x55: {  	_ =	shalt  }
0x56: {  	_ =	shalt  }
0x57: {  	_ =	shalt  }
0x58: {  	_ =	shalt  }
0x59: {  	_ =	shalt  }
0x5a: {  	_ =	shalt  }
0x5b: {  	_ =	shalt  }
0x5c: {  	_ =	shalt  }
0x5d: {  	_ =	shalt  }
0x5e: {  	_ =	shalt  }
0x5f: {  	_ =	shalt  }
0x60: {  	_ =	shalt  }
0x61: {  	_ =	shalt  }
0x62: {  	_ =	shalt  }
0x63: {  	_ =	shalt  }
0x64: {  	_ =	shalt  }
0x65: {  	_ =	shalt  }
0x66: {  	_ =	shalt  }
0x67: {  	_ =	shalt  }
0x68: {  	_ =	shalt  }
0x69: {  	_ =	shalt  }
0x6a: {  	_ =	shalt  }
0x6b: {  	_ =	shalt  }
0x6c: {  	_ =	shalt  }
0x6d: {  	_ =	shalt  }
0x6e: {  	_ =	shalt  }
0x6f: {  	_ =	shalt  }
0x70: {  	_ =	shalt  }
0x71: {  	_ =	shalt  }
0x72: {  	_ =	shalt  }
0x73: {  	_ =	shalt  }
0x74: {  	_ =	shalt  }
0x75: {  	_ =	shalt  }
0x76: {  	_ =	shalt  }
0x77: {  	_ =	shalt  }
0x78: {  	_ =	shalt  }
0x79: {  	_ =	shalt  }
0x7a: {  	_ =	shalt  }
0x7b: {  	_ =	shalt  }
0x7c: {  	_ =	shalt  }
0x7d: {  	_ =	shalt  }
0x7e: {  	_ =	shalt  }
0x7f: {  	_ =	shalt  }
0x80: {  	_ =	shalt  }
0x81: {  	_ =	shalt  }
0x82: {  	_ =	shalt  }
0x83: {  	_ =	shalt  }
0x84: {  	_ =	shalt  }
0x85: {  	_ =	shalt  }
0x86: {  	_ =	shalt  }
0x87: {  	_ =	shalt  }
.Lfunc_end0:
.L_simem_size_0:
called_computation_lowered:
.L_overlay_start_0:
0x88: {  	s0 =	sld [smem:$0x3FD9]  }
0x89: {  	s1 =	sld [smem:$0x3FFE];
	_ =	sdelay $0x3  }
0x8a: {  	s0 =	sadd.s32 s1, s0  }
0x8b: {  	[smem:$0x3FC7] =	sst s0  }
0x8c: {  	_ = 	snop  }
0x8d: {  	(tm) =	ssettm $0x1  }
0x8e: {  	s15 =	sld [smem:$0x3FFB];
	_ =	sdelay $0x3  }
0x8f: {  	_ =	strace s15  }
0x90: {  	s0 =	sld [smem:$0x3FFC];
	_ =	sdelay $0x3  }
0x91: {  	_ =	strace s0  }
0x92: {  	s0 =	sld [smem:$0x3FFD];
	_ =	sdelay $0x3  }
0x93: {  	_ =	strace s0  }
0x94: {  	_ =	strace $0x8FFFFFFF  }
0x95: {  	s16 =	sld [smem:$0x3FDB];
	_ =	sdelay $0x1  }
0x96: {  	s17 =	simm.s32 $_scs_section_size  }
0x97: {  	s2 =	simm.s32 $_size__tile_overlayer_lowered;
	s3 =	simm.s32 $_tile_overlayer_lowered  }
0x98: {  	s20 =	simm.s32 $0x1BFF;
	s19 =	sshll.u32 s3, $0x1;
	s0 =	sadd.s32 s17, s16  }
0x99: {  	s4 =	simm.s32 $0x0;
	s18 =	sshll.u32 s2, $0x1;
	s2 =	sadd.s32 s19, s0  }
0x9a: {  	[timem:s4], [sflag:s20] =	dma.local [hbm:s2], s18  }
0x9b: {  	_ =	swait.ge [sflag:s20], s18  }
0x9c: {  	s1 =	ssub.s32 $0x0, s18;
	[sflag:s20] =	ssyncset.done $0x0  }
0x9d: {  	[sflag:s20] =	ssyncadd.s32 s1;
	_ =	sdelay $0x1  }
0x9e: {  	s21 =	simm.s32 $0x1B8B  }
0x9f: {  	_ =	swait.ge [sflag:s21], $0x1  }
0xa0: {  	[sflag:s21] =	ssyncset.done $0x0  }
0xa1: {  	s23 =	simm.s32 $0x1B8E;
	s22 =	sld [smem:$0x3FFE];
	[sflag:s21] =	ssyncadd.s32 $0xFFFFFFFF  }
0xa2: {  	s24 =	simm.s32 $execute0_lowered;
	[smem:$0x3FD2] =	sst s23  }
0xa3: {  	s2 =	sshll.u32 s24, $0x1;
	_ =	strace $0x80000046;
	[dreg:$0x1] =	wrdreg $0xFFFFFFFF  }
0xa4: {  	s25 =	simm.s32 $_size_execute0_lowered;
	s0 =	sadd.s32 s0, s2;
	[dreg:$0x0] =	wrdreg $0x0  }
0xa5: {  	s2 =	sshll.u32 s25, $0x1;
	[dreg:$0x2] =	wrdreg s0  }
0xa6: {  	[dreg:$0x3] =	wrdreg s2  }
0xa7: {  	[dreg:$0x4] =	wrdreg $0xC0  }
0xa8: {  	_ =	task [dreg:s4], $0x5FFFF  }
0xa9: {  	[dreg:$0x1] =	wrdreg $0xFFFFFFFF  }
0xaa: {  	[dreg:$0x0] =	wrdreg $0x60  }
0xab: {  	[dreg:$0x2] =	wrdreg s22  }
0xac: {  	[dreg:$0x3] =	wrdreg $0x9  }
0xad: {  	_ =	task.clear_ibuf [dreg:s4], $0x4FFFF;
	_ =	strace $0x90000046  }
0xae: {  	s26 =	simm.s32 $0x9;
	_ =	strace $0x80000048  }
0xaf: {  	_ =	swait.ge [sflag:s26], $0x1  }
0xb0: {  	[sflag:s26] =	ssyncadd.s32 $0xFFFFFFFF  }
0xb1: {  	_ =	strace $0x90000048  }
0xb2: {  	_ =	sfence  }
0xb3: {  	s28 =	sld [smem:$0x0];
	_ =	sdelay $0x1  }
0xb4: {  	s29 =	srdreg.scid  }
0xb5: {  	s30 =	sshll.u32 s29, $0xD;
	s31 =	sshrl.u32 s29, $0x2  }
0xb6: {  	s1 =	sand.u32 $0x1, s29;
	s2 =	sand.u32 $0x4000, s30;
	s0 =	sadd.s32 s31, s28  }
0xb7: {  	s1 =	sor.u32 s2, s1;
	s0 =	sshll.u32 s0, $0x11  }
0xb8: {  	s0 =	sor.u32 s0, s1  }
0xb9: {  	s0 =	sadd.s32 $0x8F2B, s0  }
0xba: {  	[sflag:s0] =	ssyncadd.remote.s32 $0x1  }
0xbb: {  	_ =	sfence.sel $0xFFFF  }
0xbc: {  	[dreg:$0x0] =	wrdreg $0xFFFFFFFF;
	(pc) =	sbr.abs _section_cstart, $3  }
0xbd: {  	[dreg:$0x1] =	wrdreg $0xFFFFFFFF  }
0xbe: {  	_ =	task.clear_ibuf [dreg:s4], $0x2FFFF;
	_ =	strace $0x9FFFFFFF  }
0xbf: {  	(tm) =	ssettm $0x7FFFFFFF  }
tec
execute0_lowered:
.L_overlay_start_1:
0x0: {  	(tag) =	ssettag $0x1  }
0x1: {  	s0 =	stileid.u32  }
0x2: {  	s1 =	sshll.u32 s0, $0xA;
	s2 =	sshll.u32 s0, $0x7  }
0x3: {  	s5 =	sor.u32 s2, s1  }
0x4: {  	s3 =	rddreg [dreg:$0x0];
	s4 =	simm.s32 $0x0;
	s5 =	sand.u32 $0x2380, s5  }
0x5: {  	s7 =	simm.s32 $0x80;
	s6 =	simm.s32 $0x400;
	s5 =	sshrl.u32 s5, $0x3  }
0x6: {  	s31 =	simm.s32 $0x1;
	[smem:$0x7FF] =	sst s4;
	s5 =	sadd.s32 s5, s3  }
0x7: {  	s1 =	rddreg [dreg:$0x1];
	_ =	strace $0x80000047;
	s5 =	sadd.s32 $0x600, s5  }
0x8: {  	[tilespmem:s4], [sflag:$0x1] =	stream.strided.gather [hbm4b:s5+s7], $0x400, s6, s7, $0x38;
	[tilespmem:$0x800] =	vst v63  }
0x9: {  	_ =	swait.ge [sflag:s31], $0x400  }
0xa: {  	[sflag:s31] =	ssyncset.done $0x0  }
0xb: {  	v0 =	vimm.s32 $0x0;
	[sflag:s31] =	ssyncadd.s32 $0xFFFFFC00  }
0xc: {  	[tilespmem:$0x400] =	vst v0  }
0xd: {  	[tilespmem:$0x410] =	vst v0  }
0xe: {  	[tilespmem:$0x420] =	vst v0  }
0xf: {  	[tilespmem:$0x430] =	vst v0  }
0x10: {  	[tilespmem:$0x440] =	vst v0  }
0x11: {  	[tilespmem:$0x450] =	vst v0  }
0x12: {  	[tilespmem:$0x460] =	vst v0  }
0x13: {  	[tilespmem:$0x470] =	vst v0  }
0x14: {  	[tilespmem:$0x480] =	vst v0  }
0x15: {  	[tilespmem:$0x490] =	vst v0  }
0x16: {  	[tilespmem:$0x4A0] =	vst v0  }
0x17: {  	[tilespmem:$0x4B0] =	vst v0  }
0x18: {  	[tilespmem:$0x4C0] =	vst v0  }
0x19: {  	[tilespmem:$0x4D0] =	vst v0  }
0x1a: {  	[tilespmem:$0x4E0] =	vst v0  }
0x1b: {  	[tilespmem:$0x4F0] =	vst v0  }
0x1c: {  	[tilespmem:$0x500] =	vst v0  }
0x1d: {  	[tilespmem:$0x510] =	vst v0  }
0x1e: {  	[tilespmem:$0x520] =	vst v0  }
0x1f: {  	[tilespmem:$0x530] =	vst v0  }
0x20: {  	[tilespmem:$0x540] =	vst v0  }
0x21: {  	[tilespmem:$0x550] =	vst v0  }
0x22: {  	[tilespmem:$0x560] =	vst v0  }
0x23: {  	[tilespmem:$0x570] =	vst v0  }
0x24: {  	[tilespmem:$0x580] =	vst v0  }
0x25: {  	[tilespmem:$0x590] =	vst v0  }
0x26: {  	[tilespmem:$0x5A0] =	vst v0  }
0x27: {  	[tilespmem:$0x5B0] =	vst v0  }
0x28: {  	[tilespmem:$0x5C0] =	vst v0  }
0x29: {  	[tilespmem:$0x5D0] =	vst v0  }
0x2a: {  	[tilespmem:$0x5E0] =	vst v0  }
0x2b: {  	[tilespmem:$0x5F0] =	vst v0  }
0x2c: {  	[tilespmem:$0x600] =	vst v0  }
0x2d: {  	[tilespmem:$0x610] =	vst v0  }
0x2e: {  	[tilespmem:$0x620] =	vst v0  }
0x2f: {  	[tilespmem:$0x630] =	vst v0  }
0x30: {  	[tilespmem:$0x640] =	vst v0  }
0x31: {  	[tilespmem:$0x650] =	vst v0  }
0x32: {  	[tilespmem:$0x660] =	vst v0  }
0x33: {  	[tilespmem:$0x670] =	vst v0  }
0x34: {  	[tilespmem:$0x680] =	vst v0  }
0x35: {  	[tilespmem:$0x690] =	vst v0  }
0x36: {  	[tilespmem:$0x6A0] =	vst v0  }
0x37: {  	[tilespmem:$0x6B0] =	vst v0  }
0x38: {  	[tilespmem:$0x6C0] =	vst v0  }
0x39: {  	[tilespmem:$0x6D0] =	vst v0  }
0x3a: {  	[tilespmem:$0x6E0] =	vst v0  }
0x3b: {  	[tilespmem:$0x6F0] =	vst v0  }
0x3c: {  	[tilespmem:$0x700] =	vst v0  }
0x3d: {  	[tilespmem:$0x710] =	vst v0  }
0x3e: {  	[tilespmem:$0x720] =	vst v0  }
0x3f: {  	[tilespmem:$0x730] =	vst v0  }
0x40: {  	[tilespmem:$0x740] =	vst v0  }
0x41: {  	[tilespmem:$0x750] =	vst v0;
	v1 =	vld [tilespmem:$0x0]  }
0x42: {  	[tilespmem:$0x760] =	vst v0  }
0x43: {  	[tilespmem:$0x770] =	vst v0  }
0x44: {  	[tilespmem:$0x780] =	vst v0  }
0x45: {  	[tilespmem:$0x790] =	vst v0  }
0x46: {  	[tilespmem:$0x7A0] =	vst v0;
	vm0 =	vgt.s32 v1, $0xFFFFFFFF;
	vm1 =	vgt.s32 v1, $0x0  }
0x47: {  	[tilespmem:$0x7B0] =	vst v0;
	v1 =	vnsel vm1, $0x0, v1  }
0x48: {  	[tilespmem:$0x7C0] =	vst v0  }
0x49: {  	[tilespmem:$0x7D0] =	vst v0  }
0x4a: {  	[tilespmem:$0x7E0] =	vst v0  }
0x4b: {  	v63 =	vimm.s32 $0x1;
	[tilespmem:$0x7F0] =	vst v0  }
0x4c: {  	[tilespmem:v1+s6+$0x0] =	vst.idx.msk vm0, v63  }
0x4d: {  	v1 =	vld [tilespmem:$0x10];
	_ =	sdelay $0x4  }
0x4e: {  	vm8 =	vgt.s32 v1, $0xFFFFFFFF;
	vm9 =	vgt.s32 v1, $0x0  }
0x4f: {  	v1 =	vnsel vm9, $0x0, v1;
	_ =	sdelay $0x4  }
0x50: {  	[tilespmem:v1+s6+$0x0] =	vst.idx.msk vm8, v63  }
0x51: {  	v1 =	vld [tilespmem:$0x20];
	_ =	sdelay $0x4  }
0x52: {  	vm10 =	vgt.s32 v1, $0xFFFFFFFF;
	vm11 =	vgt.s32 v1, $0x0  }
0x53: {  	v1 =	vnsel vm11, $0x0, v1;
	_ =	sdelay $0x4  }
0x54: {  	[tilespmem:v1+s6+$0x0] =	vst.idx.msk vm10, v63  }
0x55: {  	v1 =	vld [tilespmem:$0x30];
	_ =	sdelay $0x4  }
0x56: {  	vm12 =	vgt.s32 v1, $0xFFFFFFFF;
	vm13 =	vgt.s32 v1, $0x0  }
0x57: {  	v1 =	vnsel vm13, $0x0, v1;
	_ =	sdelay $0x4  }
0x58: {  	[tilespmem:v1+s6+$0x0] =	vst.idx.msk vm12, v63  }
0x59: {  	v1 =	vld [tilespmem:$0x40];
	_ =	sdelay $0x4  }
0x5a: {  	vm14 =	vgt.s32 v1, $0xFFFFFFFF;
	vm15 =	vgt.s32 v1, $0x0  }
0x5b: {  	v1 =	vnsel vm15, $0x0, v1;
	_ =	sdelay $0x4  }
0x5c: {  	[tilespmem:v1+s6+$0x0] =	vst.idx.msk vm14, v63  }
0x5d: {  	v1 =	vld [tilespmem:$0x50];
	_ =	sdelay $0x4  }
0x5e: {  	vm4 =	vgt.s32 v1, $0xFFFFFFFF;
	vm5 =	vgt.s32 v1, $0x0  }
0x5f: {  	v1 =	vnsel vm5, $0x0, v1;
	_ =	sdelay $0x4  }
0x60: {  	[tilespmem:v1+s6+$0x0] =	vst.idx.msk vm4, v63  }
0x61: {  	v1 =	vld [tilespmem:$0x60];
	_ =	sdelay $0x4  }
0x62: {  	vm6 =	vgt.s32 v1, $0xFFFFFFFF;
	vm7 =	vgt.s32 v1, $0x0  }
0x63: {  	v1 =	vnsel vm7, $0x0, v1;
	_ =	sdelay $0x4  }
0x64: {  	[tilespmem:v1+s6+$0x0] =	vst.idx.msk vm6, v63  }
0x65: {  	v1 =	vld [tilespmem:$0x70];
	_ =	sdelay $0x4  }
0x66: {  	vm8 =	vgt.s32 v1, $0xFFFFFFFF;
	vm9 =	vgt.s32 v1, $0x0  }
0x67: {  	v1 =	vnsel vm9, $0x0, v1;
	_ =	sdelay $0x4  }
0x68: {  	[tilespmem:v1+s6+$0x0] =	vst.idx.msk vm8, v63  }
0x69: {  	v1 =	vld [tilespmem:$0x80];
	_ =	sdelay $0x4  }
0x6a: {  	vm10 =	vgt.s32 v1, $0xFFFFFFFF;
	vm11 =	vgt.s32 v1, $0x0  }
0x6b: {  	v1 =	vnsel vm11, $0x0, v1;
	_ =	sdelay $0x4  }
0x6c: {  	[tilespmem:v1+s6+$0x0] =	vst.idx.msk vm10, v63  }
0x6d: {  	v1 =	vld [tilespmem:$0x90];
	_ =	sdelay $0x4  }
0x6e: {  	vm12 =	vgt.s32 v1, $0xFFFFFFFF;
	vm13 =	vgt.s32 v1, $0x0  }
0x6f: {  	v1 =	vnsel vm13, $0x0, v1;
	_ =	sdelay $0x4  }
0x70: {  	[tilespmem:v1+s6+$0x0] =	vst.idx.msk vm12, v63  }
0x71: {  	v1 =	vld [tilespmem:$0xA0];
	_ =	sdelay $0x4  }
0x72: {  	vm14 =	vgt.s32 v1, $0xFFFFFFFF;
	vm15 =	vgt.s32 v1, $0x0  }
0x73: {  	v1 =	vnsel vm15, $0x0, v1;
	_ =	sdelay $0x4  }
0x74: {  	[tilespmem:v1+s6+$0x0] =	vst.idx.msk vm14, v63  }
0x75: {  	v1 =	vld [tilespmem:$0xB0];
	_ =	sdelay $0x4  }
0x76: {  	vm4 =	vgt.s32 v1, $0xFFFFFFFF;
	vm5 =	vgt.s32 v1, $0x0  }
0x77: {  	v1 =	vnsel vm5, $0x0, v1;
	_ =	sdelay $0x4  }
0x78: {  	[tilespmem:v1+s6+$0x0] =	vst.idx.msk vm4, v63  }
0x79: {  	v1 =	vld [tilespmem:$0xC0];
	_ =	sdelay $0x4  }
0x7a: {  	vm6 =	vgt.s32 v1, $0xFFFFFFFF;
	vm7 =	vgt.s32 v1, $0x0  }
0x7b: {  	v1 =	vnsel vm7, $0x0, v1;
	_ =	sdelay $0x4  }
0x7c: {  	[tilespmem:v1+s6+$0x0] =	vst.idx.msk vm6, v63  }
0x7d: {  	v1 =	vld [tilespmem:$0xD0];
	_ =	sdelay $0x4  }
0x7e: {  	vm8 =	vgt.s32 v1, $0xFFFFFFFF;
	vm9 =	vgt.s32 v1, $0x0  }
0x7f: {  	v1 =	vnsel vm9, $0x0, v1;
	_ =	sdelay $0x4  }
0x80: {  	[tilespmem:v1+s6+$0x0] =	vst.idx.msk vm8, v63  }
0x81: {  	v1 =	vld [tilespmem:$0xE0];
	_ =	sdelay $0x4  }
0x82: {  	vm10 =	vgt.s32 v1, $0xFFFFFFFF;
	vm11 =	vgt.s32 v1, $0x0  }
0x83: {  	v1 =	vnsel vm11, $0x0, v1;
	_ =	sdelay $0x4  }
0x84: {  	[tilespmem:v1+s6+$0x0] =	vst.idx.msk vm10, v63  }
0x85: {  	v1 =	vld [tilespmem:$0xF0];
	_ =	sdelay $0x4  }
0x86: {  	vm12 =	vgt.s32 v1, $0xFFFFFFFF;
	vm13 =	vgt.s32 v1, $0x0  }
0x87: {  	v1 =	vnsel vm13, $0x0, v1;
	_ =	sdelay $0x4  }
0x88: {  	[tilespmem:v1+s6+$0x0] =	vst.idx.msk vm12, v63  }
0x89: {  	v1 =	vld [tilespmem:$0x100];
	_ =	sdelay $0x4  }
0x8a: {  	vm14 =	vgt.s32 v1, $0xFFFFFFFF;
	vm15 =	vgt.s32 v1, $0x0  }
0x8b: {  	v1 =	vnsel vm15, $0x0, v1;
	_ =	sdelay $0x4  }
0x8c: {  	[tilespmem:v1+s6+$0x0] =	vst.idx.msk vm14, v63  }
0x8d: {  	v1 =	vld [tilespmem:$0x110];
	_ =	sdelay $0x4  }
0x8e: {  	vm4 =	vgt.s32 v1, $0xFFFFFFFF;
	vm5 =	vgt.s32 v1, $0x0  }
0x8f: {  	v1 =	vnsel vm5, $0x0, v1;
	_ =	sdelay $0x4  }
0x90: {  	[tilespmem:v1+s6+$0x0] =	vst.idx.msk vm4, v63  }
0x91: {  	v1 =	vld [tilespmem:$0x120];
	_ =	sdelay $0x4  }
0x92: {  	vm6 =	vgt.s32 v1, $0xFFFFFFFF;
	vm7 =	vgt.s32 v1, $0x0  }
0x93: {  	v1 =	vnsel vm7, $0x0, v1;
	_ =	sdelay $0x4  }
0x94: {  	[tilespmem:v1+s6+$0x0] =	vst.idx.msk vm6, v63  }
0x95: {  	v1 =	vld [tilespmem:$0x130];
	_ =	sdelay $0x4  }
0x96: {  	vm8 =	vgt.s32 v1, $0xFFFFFFFF;
	vm9 =	vgt.s32 v1, $0x0  }
0x97: {  	v1 =	vnsel vm9, $0x0, v1;
	_ =	sdelay $0x4  }
0x98: {  	[tilespmem:v1+s6+$0x0] =	vst.idx.msk vm8, v63  }
0x99: {  	v1 =	vld [tilespmem:$0x140];
	_ =	sdelay $0x4  }
0x9a: {  	vm10 =	vgt.s32 v1, $0xFFFFFFFF;
	vm11 =	vgt.s32 v1, $0x0  }
0x9b: {  	v1 =	vnsel vm11, $0x0, v1;
	_ =	sdelay $0x4  }
0x9c: {  	[tilespmem:v1+s6+$0x0] =	vst.idx.msk vm10, v63  }
0x9d: {  	v1 =	vld [tilespmem:$0x150];
	_ =	sdelay $0x4  }
0x9e: {  	vm12 =	vgt.s32 v1, $0xFFFFFFFF;
	vm13 =	vgt.s32 v1, $0x0  }
0x9f: {  	v1 =	vnsel vm13, $0x0, v1;
	_ =	sdelay $0x4  }
0xa0: {  	[tilespmem:v1+s6+$0x0] =	vst.idx.msk vm12, v63  }
0xa1: {  	v1 =	vld [tilespmem:$0x160];
	_ =	sdelay $0x4  }
0xa2: {  	vm14 =	vgt.s32 v1, $0xFFFFFFFF;
	vm15 =	vgt.s32 v1, $0x0  }
0xa3: {  	v1 =	vnsel vm15, $0x0, v1;
	_ =	sdelay $0x4  }
0xa4: {  	[tilespmem:v1+s6+$0x0] =	vst.idx.msk vm14, v63  }
0xa5: {  	v1 =	vld [tilespmem:$0x170];
	_ =	sdelay $0x4  }
0xa6: {  	vm4 =	vgt.s32 v1, $0xFFFFFFFF;
	vm5 =	vgt.s32 v1, $0x0  }
0xa7: {  	v1 =	vnsel vm5, $0x0, v1;
	_ =	sdelay $0x4  }
0xa8: {  	[tilespmem:v1+s6+$0x0] =	vst.idx.msk vm4, v63  }
0xa9: {  	v1 =	vld [tilespmem:$0x180];
	_ =	sdelay $0x4  }
0xaa: {  	vm6 =	vgt.s32 v1, $0xFFFFFFFF;
	vm7 =	vgt.s32 v1, $0x0  }
0xab: {  	v1 =	vnsel vm7, $0x0, v1;
	_ =	sdelay $0x4  }
0xac: {  	[tilespmem:v1+s6+$0x0] =	vst.idx.msk vm6, v63  }
0xad: {  	v1 =	vld [tilespmem:$0x190];
	_ =	sdelay $0x4  }
0xae: {  	vm8 =	vgt.s32 v1, $0xFFFFFFFF;
	vm9 =	vgt.s32 v1, $0x0  }
0xaf: {  	v1 =	vnsel vm9, $0x0, v1;
	_ =	sdelay $0x4  }
0xb0: {  	[tilespmem:v1+s6+$0x0] =	vst.idx.msk vm8, v63  }
0xb1: {  	v1 =	vld [tilespmem:$0x1A0];
	_ =	sdelay $0x4  }
0xb2: {  	vm10 =	vgt.s32 v1, $0xFFFFFFFF;
	vm11 =	vgt.s32 v1, $0x0  }
0xb3: {  	v1 =	vnsel vm11, $0x0, v1;
	_ =	sdelay $0x4  }
0xb4: {  	[tilespmem:v1+s6+$0x0] =	vst.idx.msk vm10, v63  }
0xb5: {  	v1 =	vld [tilespmem:$0x1B0];
	_ =	sdelay $0x4  }
0xb6: {  	vm12 =	vgt.s32 v1, $0xFFFFFFFF;
	vm13 =	vgt.s32 v1, $0x0  }
0xb7: {  	v1 =	vnsel vm13, $0x0, v1;
	_ =	sdelay $0x4  }
0xb8: {  	[tilespmem:v1+s6+$0x0] =	vst.idx.msk vm12, v63  }
0xb9: {  	v1 =	vld [tilespmem:$0x1C0];
	_ =	sdelay $0x4  }
0xba: {  	vm14 =	vgt.s32 v1, $0xFFFFFFFF;
	vm15 =	vgt.s32 v1, $0x0  }
0xbb: {  	v1 =	vnsel vm15, $0x0, v1;
	_ =	sdelay $0x4  }
0xbc: {  	[tilespmem:v1+s6+$0x0] =	vst.idx.msk vm14, v63  }
0xbd: {  	v1 =	vld [tilespmem:$0x1D0];
	_ =	sdelay $0x4  }
0xbe: {  	vm4 =	vgt.s32 v1, $0xFFFFFFFF;
	vm5 =	vgt.s32 v1, $0x0  }
0xbf: {  	v1 =	vnsel vm5, $0x0, v1;
	_ =	sdelay $0x4  }
0xc0: {  	[tilespmem:v1+s6+$0x0] =	vst.idx.msk vm4, v63  }
0xc1: {  	v1 =	vld [tilespmem:$0x1E0];
	_ =	sdelay $0x4  }
0xc2: {  	vm6 =	vgt.s32 v1, $0xFFFFFFFF;
	vm7 =	vgt.s32 v1, $0x0  }
0xc3: {  	v1 =	vnsel vm7, $0x0, v1;
	_ =	sdelay $0x4  }
0xc4: {  	[tilespmem:v1+s6+$0x0] =	vst.idx.msk vm6, v63  }
0xc5: {  	v1 =	vld [tilespmem:$0x1F0];
	_ =	sdelay $0x4  }
0xc6: {  	vm8 =	vgt.s32 v1, $0xFFFFFFFF;
	vm9 =	vgt.s32 v1, $0x0  }
0xc7: {  	v1 =	vnsel vm9, $0x0, v1;
	_ =	sdelay $0x4  }
0xc8: {  	[tilespmem:v1+s6+$0x0] =	vst.idx.msk vm8, v63  }
0xc9: {  	v1 =	vld [tilespmem:$0x200];
	_ =	sdelay $0x4  }
0xca: {  	vm10 =	vgt.s32 v1, $0xFFFFFFFF;
	vm11 =	vgt.s32 v1, $0x0  }
0xcb: {  	v1 =	vnsel vm11, $0x0, v1;
	_ =	sdelay $0x4  }
0xcc: {  	[tilespmem:v1+s6+$0x0] =	vst.idx.msk vm10, v63  }
0xcd: {  	v1 =	vld [tilespmem:$0x210];
	_ =	sdelay $0x4  }
0xce: {  	vm12 =	vgt.s32 v1, $0xFFFFFFFF;
	vm13 =	vgt.s32 v1, $0x0  }
0xcf: {  	v1 =	vnsel vm13, $0x0, v1;
	_ =	sdelay $0x4  }
0xd0: {  	[tilespmem:v1+s6+$0x0] =	vst.idx.msk vm12, v63  }
0xd1: {  	v1 =	vld [tilespmem:$0x220];
	_ =	sdelay $0x4  }
0xd2: {  	vm14 =	vgt.s32 v1, $0xFFFFFFFF;
	vm15 =	vgt.s32 v1, $0x0  }
0xd3: {  	v1 =	vnsel vm15, $0x0, v1;
	_ =	sdelay $0x4  }
0xd4: {  	[tilespmem:v1+s6+$0x0] =	vst.idx.msk vm14, v63  }
0xd5: {  	v1 =	vld [tilespmem:$0x230];
	_ =	sdelay $0x4  }
0xd6: {  	vm4 =	vgt.s32 v1, $0xFFFFFFFF;
	vm5 =	vgt.s32 v1, $0x0  }
0xd7: {  	v1 =	vnsel vm5, $0x0, v1;
	_ =	sdelay $0x4  }
0xd8: {  	[tilespmem:v1+s6+$0x0] =	vst.idx.msk vm4, v63  }
0xd9: {  	v1 =	vld [tilespmem:$0x240];
	_ =	sdelay $0x4  }
0xda: {  	vm6 =	vgt.s32 v1, $0xFFFFFFFF;
	vm7 =	vgt.s32 v1, $0x0  }
0xdb: {  	v1 =	vnsel vm7, $0x0, v1;
	_ =	sdelay $0x4  }
0xdc: {  	[tilespmem:v1+s6+$0x0] =	vst.idx.msk vm6, v63  }
0xdd: {  	v1 =	vld [tilespmem:$0x250];
	_ =	sdelay $0x4  }
0xde: {  	vm8 =	vgt.s32 v1, $0xFFFFFFFF;
	vm9 =	vgt.s32 v1, $0x0  }
0xdf: {  	v1 =	vnsel vm9, $0x0, v1;
	_ =	sdelay $0x4  }
0xe0: {  	[tilespmem:v1+s6+$0x0] =	vst.idx.msk vm8, v63  }
0xe1: {  	v1 =	vld [tilespmem:$0x260];
	_ =	sdelay $0x4  }
0xe2: {  	vm10 =	vgt.s32 v1, $0xFFFFFFFF;
	vm11 =	vgt.s32 v1, $0x0  }
0xe3: {  	v1 =	vnsel vm11, $0x0, v1;
	_ =	sdelay $0x4  }
0xe4: {  	[tilespmem:v1+s6+$0x0] =	vst.idx.msk vm10, v63  }
0xe5: {  	v1 =	vld [tilespmem:$0x270];
	_ =	sdelay $0x4  }
0xe6: {  	vm12 =	vgt.s32 v1, $0xFFFFFFFF;
	vm13 =	vgt.s32 v1, $0x0  }
0xe7: {  	v1 =	vnsel vm13, $0x0, v1;
	_ =	sdelay $0x4  }
0xe8: {  	[tilespmem:v1+s6+$0x0] =	vst.idx.msk vm12, v63  }
0xe9: {  	v1 =	vld [tilespmem:$0x280];
	_ =	sdelay $0x4  }
0xea: {  	vm14 =	vgt.s32 v1, $0xFFFFFFFF;
	vm15 =	vgt.s32 v1, $0x0  }
0xeb: {  	v1 =	vnsel vm15, $0x0, v1;
	_ =	sdelay $0x4  }
0xec: {  	[tilespmem:v1+s6+$0x0] =	vst.idx.msk vm14, v63  }
0xed: {  	v1 =	vld [tilespmem:$0x290];
	_ =	sdelay $0x4  }
0xee: {  	vm4 =	vgt.s32 v1, $0xFFFFFFFF;
	vm5 =	vgt.s32 v1, $0x0  }
0xef: {  	v1 =	vnsel vm5, $0x0, v1;
	_ =	sdelay $0x4  }
0xf0: {  	[tilespmem:v1+s6+$0x0] =	vst.idx.msk vm4, v63  }
0xf1: {  	v1 =	vld [tilespmem:$0x2A0];
	_ =	sdelay $0x4  }
0xf2: {  	vm6 =	vgt.s32 v1, $0xFFFFFFFF;
	vm7 =	vgt.s32 v1, $0x0  }
0xf3: {  	v1 =	vnsel vm7, $0x0, v1;
	_ =	sdelay $0x4  }
0xf4: {  	[tilespmem:v1+s6+$0x0] =	vst.idx.msk vm6, v63  }
0xf5: {  	v1 =	vld [tilespmem:$0x2B0];
	_ =	sdelay $0x4  }
0xf6: {  	vm8 =	vgt.s32 v1, $0xFFFFFFFF;
	vm9 =	vgt.s32 v1, $0x0  }
0xf7: {  	v1 =	vnsel vm9, $0x0, v1;
	_ =	sdelay $0x4  }
0xf8: {  	[tilespmem:v1+s6+$0x0] =	vst.idx.msk vm8, v63  }
0xf9: {  	v1 =	vld [tilespmem:$0x2C0];
	_ =	sdelay $0x4  }
0xfa: {  	vm10 =	vgt.s32 v1, $0xFFFFFFFF;
	vm11 =	vgt.s32 v1, $0x0  }
0xfb: {  	v1 =	vnsel vm11, $0x0, v1;
	_ =	sdelay $0x4  }
0xfc: {  	[tilespmem:v1+s6+$0x0] =	vst.idx.msk vm10, v63  }
0xfd: {  	v1 =	vld [tilespmem:$0x2D0];
	_ =	sdelay $0x4  }
0xfe: {  	vm12 =	vgt.s32 v1, $0xFFFFFFFF;
	vm13 =	vgt.s32 v1, $0x0  }
0xff: {  	v1 =	vnsel vm13, $0x0, v1;
	_ =	sdelay $0x4  }
0x100: {  	[tilespmem:v1+s6+$0x0] =	vst.idx.msk vm12, v63  }
0x101: {  	v1 =	vld [tilespmem:$0x2E0];
	_ =	sdelay $0x4  }
0x102: {  	vm14 =	vgt.s32 v1, $0xFFFFFFFF;
	vm15 =	vgt.s32 v1, $0x0  }
0x103: {  	v1 =	vnsel vm15, $0x0, v1;
	_ =	sdelay $0x4  }
0x104: {  	[tilespmem:v1+s6+$0x0] =	vst.idx.msk vm14, v63  }
0x105: {  	v1 =	vld [tilespmem:$0x2F0];
	_ =	sdelay $0x4  }
0x106: {  	vm4 =	vgt.s32 v1, $0xFFFFFFFF;
	vm5 =	vgt.s32 v1, $0x0  }
0x107: {  	v1 =	vnsel vm5, $0x0, v1;
	_ =	sdelay $0x4  }
0x108: {  	[tilespmem:v1+s6+$0x0] =	vst.idx.msk vm4, v63  }
0x109: {  	v1 =	vld [tilespmem:$0x300];
	_ =	sdelay $0x4  }
0x10a: {  	vm6 =	vgt.s32 v1, $0xFFFFFFFF;
	vm7 =	vgt.s32 v1, $0x0  }
0x10b: {  	v1 =	vnsel vm7, $0x0, v1;
	_ =	sdelay $0x4  }
0x10c: {  	[tilespmem:v1+s6+$0x0] =	vst.idx.msk vm6, v63  }
0x10d: {  	v1 =	vld [tilespmem:$0x310];
	_ =	sdelay $0x4  }
0x10e: {  	vm8 =	vgt.s32 v1, $0xFFFFFFFF;
	vm9 =	vgt.s32 v1, $0x0  }
0x10f: {  	v1 =	vnsel vm9, $0x0, v1;
	_ =	sdelay $0x4  }
0x110: {  	[tilespmem:v1+s6+$0x0] =	vst.idx.msk vm8, v63  }
0x111: {  	v1 =	vld [tilespmem:$0x320];
	_ =	sdelay $0x4  }
0x112: {  	vm10 =	vgt.s32 v1, $0xFFFFFFFF;
	vm11 =	vgt.s32 v1, $0x0  }
0x113: {  	v1 =	vnsel vm11, $0x0, v1;
	_ =	sdelay $0x4  }
0x114: {  	[tilespmem:v1+s6+$0x0] =	vst.idx.msk vm10, v63  }
0x115: {  	v1 =	vld [tilespmem:$0x330];
	_ =	sdelay $0x4  }
0x116: {  	vm12 =	vgt.s32 v1, $0xFFFFFFFF;
	vm13 =	vgt.s32 v1, $0x0  }
0x117: {  	v1 =	vnsel vm13, $0x0, v1;
	_ =	sdelay $0x4  }
0x118: {  	[tilespmem:v1+s6+$0x0] =	vst.idx.msk vm12, v63  }
0x119: {  	v1 =	vld [tilespmem:$0x340];
	_ =	sdelay $0x4  }
0x11a: {  	vm14 =	vgt.s32 v1, $0xFFFFFFFF;
	vm15 =	vgt.s32 v1, $0x0  }
0x11b: {  	v1 =	vnsel vm15, $0x0, v1;
	_ =	sdelay $0x4  }
0x11c: {  	[tilespmem:v1+s6+$0x0] =	vst.idx.msk vm14, v63  }
0x11d: {  	v1 =	vld [tilespmem:$0x350];
	_ =	sdelay $0x4  }
0x11e: {  	vm4 =	vgt.s32 v1, $0xFFFFFFFF;
	vm5 =	vgt.s32 v1, $0x0  }
0x11f: {  	v1 =	vnsel vm5, $0x0, v1;
	_ =	sdelay $0x4  }
0x120: {  	[tilespmem:v1+s6+$0x0] =	vst.idx.msk vm4, v63  }
0x121: {  	v1 =	vld [tilespmem:$0x360];
	_ =	sdelay $0x4  }
0x122: {  	vm6 =	vgt.s32 v1, $0xFFFFFFFF;
	vm7 =	vgt.s32 v1, $0x0  }
0x123: {  	v1 =	vnsel vm7, $0x0, v1;
	_ =	sdelay $0x4  }
0x124: {  	[tilespmem:v1+s6+$0x0] =	vst.idx.msk vm6, v63  }
0x125: {  	v1 =	vld [tilespmem:$0x370];
	_ =	sdelay $0x4  }
0x126: {  	vm8 =	vgt.s32 v1, $0xFFFFFFFF;
	vm9 =	vgt.s32 v1, $0x0  }
0x127: {  	v1 =	vnsel vm9, $0x0, v1;
	_ =	sdelay $0x4  }
0x128: {  	[tilespmem:v1+s6+$0x0] =	vst.idx.msk vm8, v63  }
0x129: {  	v1 =	vld [tilespmem:$0x380];
	_ =	sdelay $0x4  }
0x12a: {  	vm10 =	vgt.s32 v1, $0xFFFFFFFF;
	vm11 =	vgt.s32 v1, $0x0  }
0x12b: {  	v1 =	vnsel vm11, $0x0, v1;
	_ =	sdelay $0x4  }
0x12c: {  	[tilespmem:v1+s6+$0x0] =	vst.idx.msk vm10, v63  }
0x12d: {  	v1 =	vld [tilespmem:$0x390];
	_ =	sdelay $0x4  }
0x12e: {  	vm12 =	vgt.s32 v1, $0xFFFFFFFF;
	vm13 =	vgt.s32 v1, $0x0  }
0x12f: {  	v1 =	vnsel vm13, $0x0, v1;
	_ =	sdelay $0x4  }
0x130: {  	[tilespmem:v1+s6+$0x0] =	vst.idx.msk vm12, v63  }
0x131: {  	v1 =	vld [tilespmem:$0x3A0];
	_ =	sdelay $0x4  }
0x132: {  	vm14 =	vgt.s32 v1, $0xFFFFFFFF;
	vm15 =	vgt.s32 v1, $0x0  }
0x133: {  	v1 =	vnsel vm15, $0x0, v1;
	_ =	sdelay $0x3  }
0x134: {  	s2 =	sadd.s32 s2, s3  }
0x135: {  	s2 =	sadd.s32 $0xE00, s2;
	[tilespmem:v1+s6+$0x0] =	vst.idx.msk vm14, v63  }
0x136: {  	[hbm4b:s2+s4] =	stream.linear.scatter [tilespmem:s6], [sflag:$0x1], $0x400, $0x38;
	[tilespmem:$0x800] =	vst v63  }
0x137: {  	_ =	swait.ge [sflag:s31], $0x400  }
0x138: {  	[sflag:s31] =	ssyncset.done $0x0  }
0x139: {  	[sflag:s31] =	ssyncadd.s32 $0xFFFFFC00  }
0x13a: {  	_ =	sfence.sel $0x180000  }
0x13b: {  	[bflag:$0x0] =	sbarrier.arrive $0xFFFF  }
0x13c: {  	p0 =	sne.s32 s0, $0x0;
	_ =	strace $0x90000047  }
0x13d: {  	s0 =	sadd.s32 @!p0 $0x100000, s1;
	[bflag:$0x2] =	sbarrier.arrive $0xFFFF  }
0x13e: {  	[sflag:s0] =	ssyncadd.tile.s32 @!p0 $0x1;
	_ =	shalt  }
.Lfunc_end2:
_tile_overlayer_lowered:
.L_overlay_start_2:
0x13f: {  	(tag) =	ssettag $0x2  }
0x140: {  	s0 =	rddreg [dreg:$0x0];
	s2 =	stileid.u32  }
0x141: {  	s1 =	rddreg [dreg:$0x1];
	p0 =	sne.s32 s2, $0x0  }
0x142: {  	s3 =	rddreg [dreg:$0x2];
	[bflag:$0x3] =	sbarrier.arrive $0xFFFF;
	s2 =	simm.s32 @!p0 $0x1C01  }
0x143: {  	[timem:s3], [sflag:s2] =	dma.local @!p0 [hbm:s0], s1  }
0x144: {  	s0 =	simm.s32 @!p0 $0x1  }
0x145: {  	_ =	swait.ge @!p0 [sflag:s0], s1  }
0x146: {  	s1 =	ssub.s32 @!p0 $0x0, s1;
	[sflag:s0] =	ssyncset.done @!p0 $0x0  }
0x147: {  	[sflag:s0] =	ssyncadd.s32 @!p0 s1  }
0x148: {  	[bflag:$0x3] =	sbarrier.arrive $0xFFFF  }
0x149: {  	_ =	shalt  }

</sc_bundles>
